<compile_context>
chip_gen: v7x
topology: tpu7x:2x2x1
jax: 0.10.2.dev20260603
libtpu: 0.0.44.dev20260713+nightly
codegen_flags: <defaults>
</compile_context>

<pallas_src>
import functools

import jax
import jax.numpy as jnp
from jax import lax
from jax.experimental import pallas as pl
from jax.experimental.pallas import tpu as pltpu
from jax.experimental.pallas import tpu_sc as plsc

EMBED_DIM = 16
HIDDEN_DIM = 32
VOCAB = 21
VPAD = 24
CPR = 4 * VPAD
SEG_START = (0, 11, 22, 56)
SEG_LEN = (11, 11, 34, 11)
TOK_TOTAL = 67
NW = 32
NB = 4096



def _sc_body(toks_hbm, cnt_hbm, toks_v, cnt_v):
    cid = lax.axis_index("c")
    sid = lax.axis_index("s")
    wid = cid * 16 + sid
    rpw = toks_v.shape[1]
    pltpu.sync_copy(toks_hbm.at[:, pl.ds(wid * rpw, rpw)], toks_v)

    zeros16 = jnp.zeros((16,), jnp.float32)

    def zbody(i, carry):
        for slot in range(CPR):
            cnt_v[slot, pl.ds(i * 16, 16)] = zeros16
        return carry

    lax.fori_loop(0, rpw // 16, zbody, 0)

    laneiota = lax.iota(jnp.int32, 16)
    ones16 = jnp.ones((16,), jnp.float32)

    def gbody(g, carry):
        rows = laneiota + g * 16
        for s in range(4):
            for p in range(SEG_LEN[s]):
                tok = toks_v[SEG_START[s] + p, pl.ds(g * 16, 16)]
                plsc.addupdate_scatter(cnt_v, [tok + s * VPAD, rows],
                                       ones16)
        return carry

    lax.fori_loop(0, rpw // 16, gbody, 0)
    pltpu.sync_copy(cnt_v, cnt_hbm.at[:, pl.ds(wid * rpw, rpw)])


@functools.partial(jax.jit, static_argnames=("sc_rows",))
def _sc_counts(toks_t, sc_rows):
    rpw = sc_rows // NW
    mesh = plsc.VectorSubcoreMesh(core_axis_name="c", subcore_axis_name="s")
    f = pl.kernel(
        _sc_body,
        out_type=jax.ShapeDtypeStruct((CPR, sc_rows), jnp.float32),
        mesh=mesh,
        scratch_types=[
            pltpu.VMEM((TOK_TOTAL, rpw), jnp.int32),
            pltpu.VMEM((CPR, rpw), jnp.float32),
        ],
        compiler_params=pltpu.CompilerParams(needs_layout_passes=False),
    )
    return f(toks_t)



NB_TC = 4096


SC_FRAC_NUM = 1
SC_FRAC_DEN = 4


def _fused_body(toks_ref, cnt_ref, scal_ref, bd_ref, sel0t_ref, rept_ref,
                w1t_ref, b1_ref, w2at_ref, w2bt_ref, b2_ref, w3t_ref,
                b3_ref, out_ref):
    j = pl.program_id(0)
    scal = scal_ref[...]
    sf = jnp.maximum(
        jnp.dot(w1t_ref[...], scal,
                preferred_element_type=jnp.float32) + b1_ref[...], 0.0)

    def finish(pooled):
        h = jnp.maximum(
            jnp.dot(w2at_ref[...], pooled,
                    preferred_element_type=jnp.float32)
            + jnp.dot(w2bt_ref[...], sf,
                      preferred_element_type=jnp.float32)
            + b2_ref[...], 0.0)
        out_ref[...] = (jnp.dot(w3t_ref[...], h,
                                preferred_element_type=jnp.float32)
                        + b3_ref[...])

    @pl.when(j == 0)
    def _head_mode():
        counts_t = cnt_ref[...]
        li = lax.broadcasted_iota(jnp.int32, (4, 1), 0)
        seg_lens = jnp.where(li == 2, 34.0, 11.0)
        z = jnp.dot(sel0t_ref[...], counts_t,
                    preferred_element_type=jnp.float32)
        recip = 1.0 / jnp.maximum(seg_lens - z, 1.0)
        pooled_raw = jnp.dot(bd_ref[...], counts_t,
                             preferred_element_type=jnp.float32)
        scale = jnp.dot(rept_ref[...], recip,
                        preferred_element_type=jnp.float32)
        finish(pooled_raw * scale)

    @pl.when(j > 0)
    def _direct_mode():
        toks = toks_ref[...]
        viota = jax.lax.broadcasted_iota(jnp.int32, (VPAD, NB_TC), 0)
        slabs = []
        for seg_idx in range(4):
            start, length = SEG_START[seg_idx], SEG_LEN[seg_idx]
            parts = [jnp.zeros((VPAD, NB_TC), jnp.float32)
                     for _ in range(2)]
            for pp in range(length):
                tokp = toks[start + pp, :][None, :]
                parts[pp % 2] = parts[pp % 2] + jnp.where(
                    viota == tokp, 1.0, 0.0)
            slab = parts[0] + parts[1]
            denom = jnp.maximum(float(length) - slab[0:1, :], 1.0)
            slabs.append(slab * (1.0 / denom))
        counts = jnp.concatenate(slabs, axis=0)
        pooled = jnp.dot(bd_ref[...], counts,
                         preferred_element_type=jnp.float32)
        finish(pooled)


@jax.jit
def _fused_call(toks_t, cnt_t, scalars_t, bd, sel0t, rept, w1t, b1c, w2at,
                w2bt, b2c, w3t, b3c):
    batch = toks_t.shape[1]
    grid = (batch // NB_TC,)
    return pl.pallas_call(
        _fused_body,
        grid=grid,
        in_specs=[
            pl.BlockSpec((TOK_TOTAL, NB_TC), lambda j: (0, j)),
            pl.BlockSpec((CPR, NB_TC), lambda j: (0, 0)),
            pl.BlockSpec((10, NB_TC), lambda j: (0, j)),
            pl.BlockSpec((4 * EMBED_DIM, CPR), lambda j: (0, 0)),
            pl.BlockSpec((4, CPR), lambda j: (0, 0)),
            pl.BlockSpec((4 * EMBED_DIM, 4), lambda j: (0, 0)),
            pl.BlockSpec((HIDDEN_DIM, 10), lambda j: (0, 0)),
            pl.BlockSpec((HIDDEN_DIM, 1), lambda j: (0, 0)),
            pl.BlockSpec((HIDDEN_DIM, 4 * EMBED_DIM), lambda j: (0, 0)),
            pl.BlockSpec((HIDDEN_DIM, HIDDEN_DIM), lambda j: (0, 0)),
            pl.BlockSpec((HIDDEN_DIM, 1), lambda j: (0, 0)),
            pl.BlockSpec((1, HIDDEN_DIM), lambda j: (0, 0)),
            pl.BlockSpec((1, 1), lambda j: (0, 0)),
        ],
        out_specs=pl.BlockSpec((1, NB_TC), lambda j: (0, j)),
        out_shape=jax.ShapeDtypeStruct((1, batch), jnp.float32),
        compiler_params=pltpu.CompilerParams(
            dimension_semantics=("parallel",)),
    )(toks_t, cnt_t, scalars_t, bd, sel0t, rept, w1t, b1c, w2at, w2bt,
      b2c, w3t, b3c)


def kernel(mut_tokens, wt_tokens, hla_tokens, delta_tokens, scalars,
           embedding, W1, b1, W2, b2, W3, b3):
    batch = mut_tokens.shape[0]
    sc_rows = (batch * SC_FRAC_NUM // SC_FRAC_DEN) // (NW * 16) * (NW * 16)
    toks_t = jnp.concatenate(
        [mut_tokens.T, wt_tokens.T, hla_tokens.T, delta_tokens.T],
        axis=0).astype(jnp.int32)

    cnt_t = _sc_counts(toks_t, sc_rows=sc_rows)

    ezt = embedding.at[0].set(0.0)
    ezt = jnp.pad(ezt, ((0, VPAD - VOCAB), (0, 0)))
    bdt = jnp.zeros((CPR, 4 * EMBED_DIM), jnp.float32)
    sel0 = jnp.zeros((CPR, 4), jnp.float32)
    rep = jnp.zeros((4, 4 * EMBED_DIM), jnp.float32)
    for s in range(4):
        bdt = bdt.at[s * VPAD:(s + 1) * VPAD,
                     s * EMBED_DIM:(s + 1) * EMBED_DIM].set(ezt)
        sel0 = sel0.at[s * VPAD, s].set(1.0)
        rep = rep.at[s, s * EMBED_DIM:(s + 1) * EMBED_DIM].set(1.0)

    out = _fused_call(toks_t, cnt_t, scalars.T, bdt.T, sel0.T, rep.T,
                      W1.T, b1[:, None], W2[:64].T, W2[64:].T,
                      b2[:, None], W3.T, b3[:, None])
    return out[0]

# --- scband reference (transcript-rebuilt; emitter-appended) ---
"""Pipeline reference for scband-neoantigen-ranker-51084341019177 (READ-ONLY COPY).

The authoritative reference and input builder live on the scoring server;
editing this copy changes nothing except your own understanding.
"""

import jax, jax.numpy as jnp
import numpy as np

EMBED_DIM = 16
HIDDEN_DIM = 32
VOCAB = 21  # len(AA_TO_ID) + 1
BATCH = 16384


def setup_inputs(seed: int = 0) -> dict:
    key = jax.random.key(seed)
    ks = jax.random.split(key, 12)
    mut_tokens = jax.random.randint(ks[0], (BATCH, 11), 0, VOCAB, dtype=jnp.int64 if jax.config.jax_enable_x64 else jnp.int32)
    wt_tokens = jax.random.randint(ks[1], (BATCH, 11), 0, VOCAB, dtype=mut_tokens.dtype)
    hla_tokens = jax.random.randint(ks[2], (BATCH, 34), 0, VOCAB, dtype=mut_tokens.dtype)
    delta_tokens = jax.random.randint(ks[3], (BATCH, 11), 0, VOCAB, dtype=mut_tokens.dtype)
    scalars = jax.random.normal(ks[4], (BATCH, 10), dtype=jnp.float32)
    embedding = jax.random.normal(ks[5], (VOCAB, EMBED_DIM), dtype=jnp.float32) * 0.1
    W1 = jax.random.normal(ks[6], (10, HIDDEN_DIM), dtype=jnp.float32) * 0.1
    b1 = jnp.zeros((HIDDEN_DIM,), dtype=jnp.float32)
    W2 = jax.random.normal(ks[7], (EMBED_DIM * 4 + HIDDEN_DIM, HIDDEN_DIM), dtype=jnp.float32) * 0.1
    b2 = jnp.zeros((HIDDEN_DIM,), dtype=jnp.float32)
    W3 = jax.random.normal(ks[8], (HIDDEN_DIM, 1), dtype=jnp.float32) * 0.1
    b3 = jnp.zeros((1,), dtype=jnp.float32)
    return {
        'mut_tokens': mut_tokens, 'wt_tokens': wt_tokens, 'hla_tokens': hla_tokens,
        'delta_tokens': delta_tokens, 'scalars': scalars, 'embedding': embedding,
        'W1': W1, 'b1': b1, 'W2': W2, 'b2': b2, 'W3': W3, 'b3': b3,
    }


def _pool(embedding, tokens):
    mask = (tokens != 0)[..., None].astype(jnp.float32)
    embedded = jnp.take(embedding, tokens, axis=0)
    summed = (embedded * mask).sum(axis=1)
    denom = jnp.clip(mask.sum(axis=1), 1.0, None)
    return summed / denom


def reference(mut_tokens, wt_tokens, hla_tokens, delta_tokens, scalars,
              embedding, W1, b1, W2, b2, W3, b3):
    scalar_feat = jax.nn.relu(scalars @ W1 + b1)  # dropout is identity at eval
    pooled = jnp.concatenate([
        _pool(embedding, mut_tokens),
        _pool(embedding, wt_tokens),
        _pool(embedding, hla_tokens),
        _pool(embedding, delta_tokens),
        scalar_feat,
    ], axis=1)
    h = jax.nn.relu(pooled @ W2 + b2)
    out = (h @ W3 + b3).squeeze(1)
    return out

if __name__ == "__main__":
    import jax
    _d = setup_inputs()
    print(jax.jit(kernel)(*tuple(_d.values())))

</pallas_src>

<mosaic_0001>
#map = affine_map<(d0, d1) -> (0, 0)>
module attributes {stable_mosaic.version = 14 : i64} {
  func.func @_sc_body(%arg0: i32, %arg1: i32, %arg2: memref<67x16384xi32, #tpu.memory_space<hbm>>, %arg3: memref<96x4096xf32, #tpu.memory_space<hbm>>, %arg4: memref<67x128xi32, #tpu.memory_space<vmem>>, %arg5: memref<96x128xf32, #tpu.memory_space<vmem>>) attributes {dimension_semantics = [#tpu.dimension_semantics<core_parallel>, #tpu.dimension_semantics<subcore_parallel>], iteration_bounds = array<i64: 2, 16>, scalar_prefetch = 0 : i64, scratch_operands = 2 : i64, tpu.core_type = #tpu.core_type<sc_vector_subcore>, window_params = [{transform_indices = #map}, {transform_indices = #map}]} {
    %mul3A = arith.constant 16 : i32
    %mul3A_0 = arith.muli %arg0, %mul3A : i32
    %add3A = arith.addi %mul3A_0, %arg1 : i32
    %mul3A_1 = arith.constant 128 : i32
    %mul3A_2 = arith.muli %add3A, %mul3A_1 : i32
    "tpu.region"() ({
      %run_scoped3A = tpu.sem_alloc : memref<!tpu.dma_semaphore, #tpu.memory_space<semaphore_mem>>
      %dma_start3A = arith.constant 0 : i32
      %dma_start3A_19 = tpu.memref_slice %arg2[%dma_start3A, %mul3A_2] : memref<67x16384xi32, #tpu.memory_space<hbm>> -> memref<67x128xi32, #tpu.memory_space<hbm>>
      %dma_start3A_20 = arith.constant 0 : i32
      %dma_start3A_21 = tpu.memref_slice %arg2[%dma_start3A_20, %mul3A_2] : memref<67x16384xi32, #tpu.memory_space<hbm>> -> memref<67x128xi32, #tpu.memory_space<hbm>>
      tpu.enqueue_dma source(%dma_start3A_21 : memref<67x128xi32, #tpu.memory_space<hbm>>) target(%arg4 : memref<67x128xi32, #tpu.memory_space<vmem>>) target_semaphore(%run_scoped3A : memref<!tpu.dma_semaphore, #tpu.memory_space<semaphore_mem>>)
      %dma_wait3A = arith.constant 0 : i32
      %dma_wait3A_22 = tpu.memref_slice %arg2[%dma_wait3A, %mul3A_2] : memref<67x16384xi32, #tpu.memory_space<hbm>> -> memref<67x128xi32, #tpu.memory_space<hbm>>
      %dma_wait3A_23 = arith.constant 0 : i32
      %dma_wait3A_24 = tpu.memref_slice %arg2[%dma_wait3A_23, %mul3A_2] : memref<67x16384xi32, #tpu.memory_space<hbm>> -> memref<67x128xi32, #tpu.memory_space<hbm>>
      tpu.wait_dma2 semaphore(%run_scoped3A : memref<!tpu.dma_semaphore, #tpu.memory_space<semaphore_mem>>) src(%dma_wait3A_24 : memref<67x128xi32, #tpu.memory_space<hbm>>) dst(%arg4 : memref<67x128xi32, #tpu.memory_space<vmem>>)
      tpu.yield
    }) : () -> ()
    %broadcast_in_dim3A = arith.constant 0.000000e+00 : f32
    %broadcast_in_dim3A_3 = vector.broadcast %broadcast_in_dim3A : f32 to vector<16xf32>
    %scan3A = arith.constant 0 : i32
    %scan3A_4 = arith.constant 0 : i32
    %scan3A_5 = arith.constant 8 : i32
    %scan3A_6 = arith.addi %scan3A_4, %scan3A_5 : i32
    %scan3A_7 = arith.constant 1 : i32
    scf.for %scan3A_19 = %scan3A_4 to %scan3A_6 step %scan3A_7  : i32 {
      %mul3A_20 = arith.constant 16 : i32
      %mul3A_21 = arith.muli %scan3A_19, %mul3A_20 : i32
      %swap3A = arith.constant 0 : i32
      %swap3A_22 = arith.index_cast %swap3A : i32 to index
      %swap3A_23 = arith.index_cast %mul3A_21 : i32 to index
      %swap3A_24 = tpu.vector_load %arg5[%swap3A_22, %swap3A_23] {strides = array<i32>} : memref<96x128xf32, #tpu.memory_space<vmem>>, vector<16xf32>,
      tpu.vector_store %arg5[%swap3A_22, %swap3A_23], %broadcast_in_dim3A_3 {strides = array<i32>} : memref<96x128xf32, #tpu.memory_space<vmem>>, vector<16xf32>,
      %mul3A_25 = arith.constant 16 : i32
      %mul3A_26 = arith.muli %scan3A_19, %mul3A_25 : i32
      %swap3A_27 = arith.constant 1 : i32
      %swap3A_28 = arith.index_cast %swap3A_27 : i32 to index
      %swap3A_29 = arith.index_cast %mul3A_26 : i32 to index
      %swap3A_30 = tpu.vector_load %arg5[%swap3A_28, %swap3A_29] {strides = array<i32>} : memref<96x128xf32, #tpu.memory_space<vmem>>, vector<16xf32>,
      tpu.vector_store %arg5[%swap3A_28, %swap3A_29], %broadcast_in_dim3A_3 {strides = array<i32>} : memref<96x128xf32, #tpu.memory_space<vmem>>, vector<16xf32>,
      %mul3A_31 = arith.constant 16 : i32
      %mul3A_32 = arith.muli %scan3A_19, %mul3A_31 : i32
      %swap3A_33 = arith.constant 2 : i32
      %swap3A_34 = arith.index_cast %swap3A_33 : i32 to index
      %swap3A_35 = arith.index_cast %mul3A_32 : i32 to index
      %swap3A_36 = tpu.vector_load %arg5[%swap3A_34, %swap3A_35] {strides = array<i32>} : memref<96x128xf32, #tpu.memory_space<vmem>>, vector<16xf32>,
      tpu.vector_store %arg5[%swap3A_34, %swap3A_35], %broadcast_in_dim3A_3 {strides = array<i32>} : memref<96x128xf32, #tpu.memory_space<vmem>>, vector<16xf32>,
      %mul3A_37 = arith.constant 16 : i32
      %mul3A_38 = arith.muli %scan3A_19, %mul3A_37 : i32
      %swap3A_39 = arith.constant 3 : i32
      %swap3A_40 = arith.index_cast %swap3A_39 : i32 to index
      %swap3A_41 = arith.index_cast %mul3A_38 : i32 to index
      %swap3A_42 = tpu.vector_load %arg5[%swap3A_40, %swap3A_41] {strides = array<i32>} : memref<96x128xf32, #tpu.memory_space<vmem>>, vector<16xf32>,
      tpu.vector_store %arg5[%swap3A_40, %swap3A_41], %broadcast_in_dim3A_3 {strides = array<i32>} : memref<96x128xf32, #tpu.memory_space<vmem>>, vector<16xf32>,
      %mul3A_43 = arith.constant 16 : i32
      %mul3A_44 = arith.muli %scan3A_19, %mul3A_43 : i32
      %swap3A_45 = arith.constant 4 : i32
      %swap3A_46 = arith.index_cast %swap3A_45 : i32 to index
      %swap3A_47 = arith.index_cast %mul3A_44 : i32 to index
      %swap3A_48 = tpu.vector_load %arg5[%swap3A_46, %swap3A_47] {strides = array<i32>} : memref<96x128xf32, #tpu.memory_space<vmem>>, vector<16xf32>,
      tpu.vector_store %arg5[%swap3A_46, %swap3A_47], %broadcast_in_dim3A_3 {strides = array<i32>} : memref<96x128xf32, #tpu.memory_space<vmem>>, vector<16xf32>,
      %mul3A_49 = arith.constant 16 : i32
      %mul3A_50 = arith.muli %scan3A_19, %mul3A_49 : i32
      %swap3A_51 = arith.constant 5 : i32
      %swap3A_52 = arith.index_cast %swap3A_51 : i32 to index
      %swap3A_53 = arith.index_cast %mul3A_50 : i32 to index
      %swap3A_54 = tpu.vector_load %arg5[%swap3A_52, %swap3A_53] {strides = array<i32>} : memref<96x128xf32, #tpu.memory_space<vmem>>, vector<16xf32>,
      tpu.vector_store %arg5[%swap3A_52, %swap3A_53], %broadcast_in_dim3A_3 {strides = array<i32>} : memref<96x128xf32, #tpu.memory_space<vmem>>, vector<16xf32>,
      %mul3A_55 = arith.constant 16 : i32
      %mul3A_56 = arith.muli %scan3A_19, %mul3A_55 : i32
      %swap3A_57 = arith.constant 6 : i32
      %swap3A_58 = arith.index_cast %swap3A_57 : i32 to index
      %swap3A_59 = arith.index_cast %mul3A_56 : i32 to index
      %swap3A_60 = tpu.vector_load %arg5[%swap3A_58, %swap3A_59] {strides = array<i32>} : memref<96x128xf32, #tpu.memory_space<vmem>>, vector<16xf32>,
      tpu.vector_store %arg5[%swap3A_58, %swap3A_59], %broadcast_in_dim3A_3 {strides = array<i32>} : memref<96x128xf32, #tpu.memory_space<vmem>>, vector<16xf32>,
      %mul3A_61 = arith.constant 16 : i32
      %mul3A_62 = arith.muli %scan3A_19, %mul3A_61 : i32
      %swap3A_63 = arith.constant 7 : i32
      %swap3A_64 = arith.index_cast %swap3A_63 : i32 to index
      %swap3A_65 = arith.index_cast %mul3A_62 : i32 to index
      %swap3A_66 = tpu.vector_load %arg5[%swap3A_64, %swap3A_65] {strides = array<i32>} : memref<96x128xf32, #tpu.memory_space<vmem>>, vector<16xf32>,
      tpu.vector_store %arg5[%swap3A_64, %swap3A_65], %broadcast_in_dim3A_3 {strides = array<i32>} : memref<96x128xf32, #tpu.memory_space<vmem>>, vector<16xf32>,
      %mul3A_67 = arith.constant 16 : i32
      %mul3A_68 = arith.muli %scan3A_19, %mul3A_67 : i32
      %swap3A_69 = arith.constant 8 : i32
      %swap3A_70 = arith.index_cast %swap3A_69 : i32 to index
      %swap3A_71 = arith.index_cast %mul3A_68 : i32 to index
      %swap3A_72 = tpu.vector_load %arg5[%swap3A_70, %swap3A_71] {strides = array<i32>} : memref<96x128xf32, #tpu.memory_space<vmem>>, vector<16xf32>,
      tpu.vector_store %arg5[%swap3A_70, %swap3A_71], %broadcast_in_dim3A_3 {strides = array<i32>} : memref<96x128xf32, #tpu.memory_space<vmem>>, vector<16xf32>,
      %mul3A_73 = arith.constant 16 : i32
      %mul3A_74 = arith.muli %scan3A_19, %mul3A_73 : i32
      %swap3A_75 = arith.constant 9 : i32
      %swap3A_76 = arith.index_cast %swap3A_75 : i32 to index
      %swap3A_77 = arith.index_cast %mul3A_74 : i32 to index
      %swap3A_78 = tpu.vector_load %arg5[%swap3A_76, %swap3A_77] {strides = array<i32>} : memref<96x128xf32, #tpu.memory_space<vmem>>, vector<16xf32>,
      tpu.vector_store %arg5[%swap3A_76, %swap3A_77], %broadcast_in_dim3A_3 {strides = array<i32>} : memref<96x128xf32, #tpu.memory_space<vmem>>, vector<16xf32>,
      %mul3A_79 = arith.constant 16 : i32
      %mul3A_80 = arith.muli %scan3A_19, %mul3A_79 : i32
      %swap3A_81 = arith.constant 10 : i32
      %swap3A_82 = arith.index_cast %swap3A_81 : i32 to index
      %swap3A_83 = arith.index_cast %mul3A_80 : i32 to index
      %swap3A_84 = tpu.vector_load %arg5[%swap3A_82, %swap3A_83] {strides = array<i32>} : memref<96x128xf32, #tpu.memory_space<vmem>>, vector<16xf32>,
      tpu.vector_store %arg5[%swap3A_82, %swap3A_83], %broadcast_in_dim3A_3 {strides = array<i32>} : memref<96x128xf32, #tpu.memory_space<vmem>>, vector<16xf32>,
      %mul3A_85 = arith.constant 16 : i32
      %mul3A_86 = arith.muli %scan3A_19, %mul3A_85 : i32
      %swap3A_87 = arith.constant 11 : i32
      %swap3A_88 = arith.index_cast %swap3A_87 : i32 to index
      %swap3A_89 = arith.index_cast %mul3A_86 : i32 to index
      %swap3A_90 = tpu.vector_load %arg5[%swap3A_88, %swap3A_89] {strides = array<i32>} : memref<96x128xf32, #tpu.memory_space<vmem>>, vector<16xf32>,
      tpu.vector_store %arg5[%swap3A_88, %swap3A_89], %broadcast_in_dim3A_3 {strides = array<i32>} : memref<96x128xf32, #tpu.memory_space<vmem>>, vector<16xf32>,
      %mul3A_91 = arith.constant 16 : i32
      %mul3A_92 = arith.muli %scan3A_19, %mul3A_91 : i32
      %swap3A_93 = arith.constant 12 : i32
      %swap3A_94 = arith.index_cast %swap3A_93 : i32 to index
      %swap3A_95 = arith.index_cast %mul3A_92 : i32 to index
      %swap3A_96 = tpu.vector_load %arg5[%swap3A_94, %swap3A_95] {strides = array<i32>} : memref<96x128xf32, #tpu.memory_space<vmem>>, vector<16xf32>,
      tpu.vector_store %arg5[%swap3A_94, %swap3A_95], %broadcast_in_dim3A_3 {strides = array<i32>} : memref<96x128xf32, #tpu.memory_space<vmem>>, vector<16xf32>,
      %mul3A_97 = arith.constant 16 : i32
      %mul3A_98 = arith.muli %scan3A_19, %mul3A_97 : i32
      %swap3A_99 = arith.constant 13 : i32
      %swap3A_100 = arith.index_cast %swap3A_99 : i32 to index
      %swap3A_101 = arith.index_cast %mul3A_98 : i32 to index
      %swap3A_102 = tpu.vector_load %arg5[%swap3A_100, %swap3A_101] {strides = array<i32>} : memref<96x128xf32, #tpu.memory_space<vmem>>, vector<16xf32>,
      tpu.vector_store %arg5[%swap3A_100, %swap3A_101], %broadcast_in_dim3A_3 {strides = array<i32>} : memref<96x128xf32, #tpu.memory_space<vmem>>, vector<16xf32>,
      %mul3A_103 = arith.constant 16 : i32
      %mul3A_104 = arith.muli %scan3A_19, %mul3A_103 : i32
      %swap3A_105 = arith.constant 14 : i32
      %swap3A_106 = arith.index_cast %swap3A_105 : i32 to index
      %swap3A_107 = arith.index_cast %mul3A_104 : i32 to index
      %swap3A_108 = tpu.vector_load %arg5[%swap3A_106, %swap3A_107] {strides = array<i32>} : memref<96x128xf32, #tpu.memory_space<vmem>>, vector<16xf32>,
      tpu.vector_store %arg5[%swap3A_106, %swap3A_107], %broadcast_in_dim3A_3 {strides = array<i32>} : memref<96x128xf32, #tpu.memory_space<vmem>>, vector<16xf32>,
      %mul3A_109 = arith.constant 16 : i32
      %mul3A_110 = arith.muli %scan3A_19, %mul3A_109 : i32
      %swap3A_111 = arith.constant 15 : i32
      %swap3A_112 = arith.index_cast %swap3A_111 : i32 to index
      %swap3A_113 = arith.index_cast %mul3A_110 : i32 to index
      %swap3A_114 = tpu.vector_load %arg5[%swap3A_112, %swap3A_113] {strides = array<i32>} : memref<96x128xf32, #tpu.memory_space<vmem>>, vector<16xf32>,
      tpu.vector_store %arg5[%swap3A_112, %swap3A_113], %broadcast_in_dim3A_3 {strides = array<i32>} : memref<96x128xf32, #tpu.memory_space<vmem>>, vector<16xf32>,
      %mul3A_115 = arith.constant 16 : i32
      %mul3A_116 = arith.muli %scan3A_19, %mul3A_115 : i32
      %swap3A_117 = arith.constant 16 : i32
      %swap3A_118 = arith.index_cast %swap3A_117 : i32 to index
      %swap3A_119 = arith.index_cast %mul3A_116 : i32 to index
      %swap3A_120 = tpu.vector_load %arg5[%swap3A_118, %swap3A_119] {strides = array<i32>} : memref<96x128xf32, #tpu.memory_space<vmem>>, vector<16xf32>,
      tpu.vector_store %arg5[%swap3A_118, %swap3A_119], %broadcast_in_dim3A_3 {strides = array<i32>} : memref<96x128xf32, #tpu.memory_space<vmem>>, vector<16xf32>,
      %mul3A_121 = arith.constant 16 : i32
      %mul3A_122 = arith.muli %scan3A_19, %mul3A_121 : i32
      %swap3A_123 = arith.constant 17 : i32
      %swap3A_124 = arith.index_cast %swap3A_123 : i32 to index
      %swap3A_125 = arith.index_cast %mul3A_122 : i32 to index
      %swap3A_126 = tpu.vector_load %arg5[%swap3A_124, %swap3A_125] {strides = array<i32>} : memref<96x128xf32, #tpu.memory_space<vmem>>, vector<16xf32>,
      tpu.vector_store %arg5[%swap3A_124, %swap3A_125], %broadcast_in_dim3A_3 {strides = array<i32>} : memref<96x128xf32, #tpu.memory_space<vmem>>, vector<16xf32>,
      %mul3A_127 = arith.constant 16 : i32
      %mul3A_128 = arith.muli %scan3A_19, %mul3A_127 : i32
      %swap3A_129 = arith.constant 18 : i32
      %swap3A_130 = arith.index_cast %swap3A_129 : i32 to index
      %swap3A_131 = arith.index_cast %mul3A_128 : i32 to index
      %swap3A_132 = tpu.vector_load %arg5[%swap3A_130, %swap3A_131] {strides = array<i32>} : memref<96x128xf32, #tpu.memory_space<vmem>>, vector<16xf32>,
      tpu.vector_store %arg5[%swap3A_130, %swap3A_131], %broadcast_in_dim3A_3 {strides = array<i32>} : memref<96x128xf32, #tpu.memory_space<vmem>>, vector<16xf32>,
      %mul3A_133 = arith.constant 16 : i32
      %mul3A_134 = arith.muli %scan3A_19, %mul3A_133 : i32
      %swap3A_135 = arith.constant 19 : i32
      %swap3A_136 = arith.index_cast %swap3A_135 : i32 to index
      %swap3A_137 = arith.index_cast %mul3A_134 : i32 to index
      %swap3A_138 = tpu.vector_load %arg5[%swap3A_136, %swap3A_137] {strides = array<i32>} : memref<96x128xf32, #tpu.memory_space<vmem>>, vector<16xf32>,
      tpu.vector_store %arg5[%swap3A_136, %swap3A_137], %broadcast_in_dim3A_3 {strides = array<i32>} : memref<96x128xf32, #tpu.memory_space<vmem>>, vector<16xf32>,
      %mul3A_139 = arith.constant 16 : i32
      %mul3A_140 = arith.muli %scan3A_19, %mul3A_139 : i32
      %swap3A_141 = arith.constant 20 : i32
      %swap3A_142 = arith.index_cast %swap3A_141 : i32 to index
      %swap3A_143 = arith.index_cast %mul3A_140 : i32 to index
      %swap3A_144 = tpu.vector_load %arg5[%swap3A_142, %swap3A_143] {strides = array<i32>} : memref<96x128xf32, #tpu.memory_space<vmem>>, vector<16xf32>,
      tpu.vector_store %arg5[%swap3A_142, %swap3A_143], %broadcast_in_dim3A_3 {strides = array<i32>} : memref<96x128xf32, #tpu.memory_space<vmem>>, vector<16xf32>,
      %mul3A_145 = arith.constant 16 : i32
      %mul3A_146 = arith.muli %scan3A_19, %mul3A_145 : i32
      %swap3A_147 = arith.constant 21 : i32
      %swap3A_148 = arith.index_cast %swap3A_147 : i32 to index
      %swap3A_149 = arith.index_cast %mul3A_146 : i32 to index
      %swap3A_150 = tpu.vector_load %arg5[%swap3A_148, %swap3A_149] {strides = array<i32>} : memref<96x128xf32, #tpu.memory_space<vmem>>, vector<16xf32>,
      tpu.vector_store %arg5[%swap3A_148, %swap3A_149], %broadcast_in_dim3A_3 {strides = array<i32>} : memref<96x128xf32, #tpu.memory_space<vmem>>, vector<16xf32>,
      %mul3A_151 = arith.constant 16 : i32
      %mul3A_152 = arith.muli %scan3A_19, %mul3A_151 : i32
      %swap3A_153 = arith.constant 22 : i32
      %swap3A_154 = arith.index_cast %swap3A_153 : i32 to index
      %swap3A_155 = arith.index_cast %mul3A_152 : i32 to index
      %swap3A_156 = tpu.vector_load %arg5[%swap3A_154, %swap3A_155] {strides = array<i32>} : memref<96x128xf32, #tpu.memory_space<vmem>>, vector<16xf32>,
      tpu.vector_store %arg5[%swap3A_154, %swap3A_155], %broadcast_in_dim3A_3 {strides = array<i32>} : memref<96x128xf32, #tpu.memory_space<vmem>>, vector<16xf32>,
      %mul3A_157 = arith.constant 16 : i32
      %mul3A_158 = arith.muli %scan3A_19, %mul3A_157 : i32
      %swap3A_159 = arith.constant 23 : i32
      %swap3A_160 = arith.index_cast %swap3A_159 : i32 to index
      %swap3A_161 = arith.index_cast %mul3A_158 : i32 to index
      %swap3A_162 = tpu.vector_load %arg5[%swap3A_160, %swap3A_161] {strides = array<i32>} : memref<96x128xf32, #tpu.memory_space<vmem>>, vector<16xf32>,
      tpu.vector_store %arg5[%swap3A_160, %swap3A_161], %broadcast_in_dim3A_3 {strides = array<i32>} : memref<96x128xf32, #tpu.memory_space<vmem>>, vector<16xf32>,
      %mul3A_163 = arith.constant 16 : i32
      %mul3A_164 = arith.muli %scan3A_19, %mul3A_163 : i32
      %swap3A_165 = arith.constant 24 : i32
      %swap3A_166 = arith.index_cast %swap3A_165 : i32 to index
      %swap3A_167 = arith.index_cast %mul3A_164 : i32 to index
      %swap3A_168 = tpu.vector_load %arg5[%swap3A_166, %swap3A_167] {strides = array<i32>} : memref<96x128xf32, #tpu.memory_space<vmem>>, vector<16xf32>,
      tpu.vector_store %arg5[%swap3A_166, %swap3A_167], %broadcast_in_dim3A_3 {strides = array<i32>} : memref<96x128xf32, #tpu.memory_space<vmem>>, vector<16xf32>,
      %mul3A_169 = arith.constant 16 : i32
      %mul3A_170 = arith.muli %scan3A_19, %mul3A_169 : i32
      %swap3A_171 = arith.constant 25 : i32
      %swap3A_172 = arith.index_cast %swap3A_171 : i32 to index
      %swap3A_173 = arith.index_cast %mul3A_170 : i32 to index
      %swap3A_174 = tpu.vector_load %arg5[%swap3A_172, %swap3A_173] {strides = array<i32>} : memref<96x128xf32, #tpu.memory_space<vmem>>, vector<16xf32>,
      tpu.vector_store %arg5[%swap3A_172, %swap3A_173], %broadcast_in_dim3A_3 {strides = array<i32>} : memref<96x128xf32, #tpu.memory_space<vmem>>, vector<16xf32>,
      %mul3A_175 = arith.constant 16 : i32
      %mul3A_176 = arith.muli %scan3A_19, %mul3A_175 : i32
      %swap3A_177 = arith.constant 26 : i32
      %swap3A_178 = arith.index_cast %swap3A_177 : i32 to index
      %swap3A_179 = arith.index_cast %mul3A_176 : i32 to index
      %swap3A_180 = tpu.vector_load %arg5[%swap3A_178, %swap3A_179] {strides = array<i32>} : memref<96x128xf32, #tpu.memory_space<vmem>>, vector<16xf32>,
      tpu.vector_store %arg5[%swap3A_178, %swap3A_179], %broadcast_in_dim3A_3 {strides = array<i32>} : memref<96x128xf32, #tpu.memory_space<vmem>>, vector<16xf32>,
      %mul3A_181 = arith.constant 16 : i32
      %mul3A_182 = arith.muli %scan3A_19, %mul3A_181 : i32
      %swap3A_183 = arith.constant 27 : i32
      %swap3A_184 = arith.index_cast %swap3A_183 : i32 to index
      %swap3A_185 = arith.index_cast %mul3A_182 : i32 to index
      %swap3A_186 = tpu.vector_load %arg5[%swap3A_184, %swap3A_185] {strides = array<i32>} : memref<96x128xf32, #tpu.memory_space<vmem>>, vector<16xf32>,
      tpu.vector_store %arg5[%swap3A_184, %swap3A_185], %broadcast_in_dim3A_3 {strides = array<i32>} : memref<96x128xf32, #tpu.memory_space<vmem>>, vector<16xf32>,
      %mul3A_187 = arith.constant 16 : i32
      %mul3A_188 = arith.muli %scan3A_19, %mul3A_187 : i32
      %swap3A_189 = arith.constant 28 : i32
      %swap3A_190 = arith.index_cast %swap3A_189 : i32 to index
      %swap3A_191 = arith.index_cast %mul3A_188 : i32 to index
      %swap3A_192 = tpu.vector_load %arg5[%swap3A_190, %swap3A_191] {strides = array<i32>} : memref<96x128xf32, #tpu.memory_space<vmem>>, vector<16xf32>,
      tpu.vector_store %arg5[%swap3A_190, %swap3A_191], %broadcast_in_dim3A_3 {strides = array<i32>} : memref<96x128xf32, #tpu.memory_space<vmem>>, vector<16xf32>,
      %mul3A_193 = arith.constant 16 : i32
      %mul3A_194 = arith.muli %scan3A_19, %mul3A_193 : i32
      %swap3A_195 = arith.constant 29 : i32
      %swap3A_196 = arith.index_cast %swap3A_195 : i32 to index
      %swap3A_197 = arith.index_cast %mul3A_194 : i32 to index
      %swap3A_198 = tpu.vector_load %arg5[%swap3A_196, %swap3A_197] {strides = array<i32>} : memref<96x128xf32, #tpu.memory_space<vmem>>, vector<16xf32>,
      tpu.vector_store %arg5[%swap3A_196, %swap3A_197], %broadcast_in_dim3A_3 {strides = array<i32>} : memref<96x128xf32, #tpu.memory_space<vmem>>, vector<16xf32>,
      %mul3A_199 = arith.constant 16 : i32
      %mul3A_200 = arith.muli %scan3A_19, %mul3A_199 : i32
      %swap3A_201 = arith.constant 30 : i32
      %swap3A_202 = arith.index_cast %swap3A_201 : i32 to index
      %swap3A_203 = arith.index_cast %mul3A_200 : i32 to index
      %swap3A_204 = tpu.vector_load %arg5[%swap3A_202, %swap3A_203] {strides = array<i32>} : memref<96x128xf32, #tpu.memory_space<vmem>>, vector<16xf32>,
      tpu.vector_store %arg5[%swap3A_202, %swap3A_203], %broadcast_in_dim3A_3 {strides = array<i32>} : memref<96x128xf32, #tpu.memory_space<vmem>>, vector<16xf32>,
      %mul3A_205 = arith.constant 16 : i32
      %mul3A_206 = arith.muli %scan3A_19, %mul3A_205 : i32
      %swap3A_207 = arith.constant 31 : i32
      %swap3A_208 = arith.index_cast %swap3A_207 : i32 to index
      %swap3A_209 = arith.index_cast %mul3A_206 : i32 to index
      %swap3A_210 = tpu.vector_load %arg5[%swap3A_208, %swap3A_209] {strides = array<i32>} : memref<96x128xf32, #tpu.memory_space<vmem>>, vector<16xf32>,
      tpu.vector_store %arg5[%swap3A_208, %swap3A_209], %broadcast_in_dim3A_3 {strides = array<i32>} : memref<96x128xf32, #tpu.memory_space<vmem>>, vector<16xf32>,
      %mul3A_211 = arith.constant 16 : i32
      %mul3A_212 = arith.muli %scan3A_19, %mul3A_211 : i32
      %swap3A_213 = arith.constant 32 : i32
      %swap3A_214 = arith.index_cast %swap3A_213 : i32 to index
      %swap3A_215 = arith.index_cast %mul3A_212 : i32 to index
      %swap3A_216 = tpu.vector_load %arg5[%swap3A_214, %swap3A_215] {strides = array<i32>} : memref<96x128xf32, #tpu.memory_space<vmem>>, vector<16xf32>,
      tpu.vector_store %arg5[%swap3A_214, %swap3A_215], %broadcast_in_dim3A_3 {strides = array<i32>} : memref<96x128xf32, #tpu.memory_space<vmem>>, vector<16xf32>,
      %mul3A_217 = arith.constant 16 : i32
      %mul3A_218 = arith.muli %scan3A_19, %mul3A_217 : i32
      %swap3A_219 = arith.constant 33 : i32
      %swap3A_220 = arith.index_cast %swap3A_219 : i32 to index
      %swap3A_221 = arith.index_cast %mul3A_218 : i32 to index
      %swap3A_222 = tpu.vector_load %arg5[%swap3A_220, %swap3A_221] {strides = array<i32>} : memref<96x128xf32, #tpu.memory_space<vmem>>, vector<16xf32>,
      tpu.vector_store %arg5[%swap3A_220, %swap3A_221], %broadcast_in_dim3A_3 {strides = array<i32>} : memref<96x128xf32, #tpu.memory_space<vmem>>, vector<16xf32>,
      %mul3A_223 = arith.constant 16 : i32
      %mul3A_224 = arith.muli %scan3A_19, %mul3A_223 : i32
      %swap3A_225 = arith.constant 34 : i32
      %swap3A_226 = arith.index_cast %swap3A_225 : i32 to index
      %swap3A_227 = arith.index_cast %mul3A_224 : i32 to index
      %swap3A_228 = tpu.vector_load %arg5[%swap3A_226, %swap3A_227] {strides = array<i32>} : memref<96x128xf32, #tpu.memory_space<vmem>>, vector<16xf32>,
      tpu.vector_store %arg5[%swap3A_226, %swap3A_227], %broadcast_in_dim3A_3 {strides = array<i32>} : memref<96x128xf32, #tpu.memory_space<vmem>>, vector<16xf32>,
      %mul3A_229 = arith.constant 16 : i32
      %mul3A_230 = arith.muli %scan3A_19, %mul3A_229 : i32
      %swap3A_231 = arith.constant 35 : i32
      %swap3A_232 = arith.index_cast %swap3A_231 : i32 to index
      %swap3A_233 = arith.index_cast %mul3A_230 : i32 to index
      %swap3A_234 = tpu.vector_load %arg5[%swap3A_232, %swap3A_233] {strides = array<i32>} : memref<96x128xf32, #tpu.memory_space<vmem>>, vector<16xf32>,
      tpu.vector_store %arg5[%swap3A_232, %swap3A_233], %broadcast_in_dim3A_3 {strides = array<i32>} : memref<96x128xf32, #tpu.memory_space<vmem>>, vector<16xf32>,
      %mul3A_235 = arith.constant 16 : i32
      %mul3A_236 = arith.muli %scan3A_19, %mul3A_235 : i32
      %swap3A_237 = arith.constant 36 : i32
      %swap3A_238 = arith.index_cast %swap3A_237 : i32 to index
      %swap3A_239 = arith.index_cast %mul3A_236 : i32 to index
      %swap3A_240 = tpu.vector_load %arg5[%swap3A_238, %swap3A_239] {strides = array<i32>} : memref<96x128xf32, #tpu.memory_space<vmem>>, vector<16xf32>,
      tpu.vector_store %arg5[%swap3A_238, %swap3A_239], %broadcast_in_dim3A_3 {strides = array<i32>} : memref<96x128xf32, #tpu.memory_space<vmem>>, vector<16xf32>,
      %mul3A_241 = arith.constant 16 : i32
      %mul3A_242 = arith.muli %scan3A_19, %mul3A_241 : i32
      %swap3A_243 = arith.constant 37 : i32
      %swap3A_244 = arith.index_cast %swap3A_243 : i32 to index
      %swap3A_245 = arith.index_cast %mul3A_242 : i32 to index
      %swap3A_246 = tpu.vector_load %arg5[%swap3A_244, %swap3A_245] {strides = array<i32>} : memref<96x128xf32, #tpu.memory_space<vmem>>, vector<16xf32>,
      tpu.vector_store %arg5[%swap3A_244, %swap3A_245], %broadcast_in_dim3A_3 {strides = array<i32>} : memref<96x128xf32, #tpu.memory_space<vmem>>, vector<16xf32>,
      %mul3A_247 = arith.constant 16 : i32
      %mul3A_248 = arith.muli %scan3A_19, %mul3A_247 : i32
      %swap3A_249 = arith.constant 38 : i32
      %swap3A_250 = arith.index_cast %swap3A_249 : i32 to index
      %swap3A_251 = arith.index_cast %mul3A_248 : i32 to index
      %swap3A_252 = tpu.vector_load %arg5[%swap3A_250, %swap3A_251] {strides = array<i32>} : memref<96x128xf32, #tpu.memory_space<vmem>>, vector<16xf32>,
      tpu.vector_store %arg5[%swap3A_250, %swap3A_251], %broadcast_in_dim3A_3 {strides = array<i32>} : memref<96x128xf32, #tpu.memory_space<vmem>>, vector<16xf32>,
      %mul3A_253 = arith.constant 16 : i32
      %mul3A_254 = arith.muli %scan3A_19, %mul3A_253 : i32
      %swap3A_255 = arith.constant 39 : i32
      %swap3A_256 = arith.index_cast %swap3A_255 : i32 to index
      %swap3A_257 = arith.index_cast %mul3A_254 : i32 to index
      %swap3A_258 = tpu.vector_load %arg5[%swap3A_256, %swap3A_257] {strides = array<i32>} : memref<96x128xf32, #tpu.memory_space<vmem>>, vector<16xf32>,
      tpu.vector_store %arg5[%swap3A_256, %swap3A_257], %broadcast_in_dim3A_3 {strides = array<i32>} : memref<96x128xf32, #tpu.memory_space<vmem>>, vector<16xf32>,
      %mul3A_259 = arith.constant 16 : i32
      %mul3A_260 = arith.muli %scan3A_19, %mul3A_259 : i32
      %swap3A_261 = arith.constant 40 : i32
      %swap3A_262 = arith.index_cast %swap3A_261 : i32 to index
      %swap3A_263 = arith.index_cast %mul3A_260 : i32 to index
      %swap3A_264 = tpu.vector_load %arg5[%swap3A_262, %swap3A_263] {strides = array<i32>} : memref<96x128xf32, #tpu.memory_space<vmem>>, vector<16xf32>,
      tpu.vector_store %arg5[%swap3A_262, %swap3A_263], %broadcast_in_dim3A_3 {strides = array<i32>} : memref<96x128xf32, #tpu.memory_space<vmem>>, vector<16xf32>,
      %mul3A_265 = arith.constant 16 : i32
      %mul3A_266 = arith.muli %scan3A_19, %mul3A_265 : i32
      %swap3A_267 = arith.constant 41 : i32
      %swap3A_268 = arith.index_cast %swap3A_267 : i32 to index
      %swap3A_269 = arith.index_cast %mul3A_266 : i32 to index
      %swap3A_270 = tpu.vector_load %arg5[%swap3A_268, %swap3A_269] {strides = array<i32>} : memref<96x128xf32, #tpu.memory_space<vmem>>, vector<16xf32>,
      tpu.vector_store %arg5[%swap3A_268, %swap3A_269], %broadcast_in_dim3A_3 {strides = array<i32>} : memref<96x128xf32, #tpu.memory_space<vmem>>, vector<16xf32>,
      %mul3A_271 = arith.constant 16 : i32
      %mul3A_272 = arith.muli %scan3A_19, %mul3A_271 : i32
      %swap3A_273 = arith.constant 42 : i32
      %swap3A_274 = arith.index_cast %swap3A_273 : i32 to index
      %swap3A_275 = arith.index_cast %mul3A_272 : i32 to index
      %swap3A_276 = tpu.vector_load %arg5[%swap3A_274, %swap3A_275] {strides = array<i32>} : memref<96x128xf32, #tpu.memory_space<vmem>>, vector<16xf32>,
      tpu.vector_store %arg5[%swap3A_274, %swap3A_275], %broadcast_in_dim3A_3 {strides = array<i32>} : memref<96x128xf32, #tpu.memory_space<vmem>>, vector<16xf32>,
      %mul3A_277 = arith.constant 16 : i32
      %mul3A_278 = arith.muli %scan3A_19, %mul3A_277 : i32
      %swap3A_279 = arith.constant 43 : i32
      %swap3A_280 = arith.index_cast %swap3A_279 : i32 to index
      %swap3A_281 = arith.index_cast %mul3A_278 : i32 to index
      %swap3A_282 = tpu.vector_load %arg5[%swap3A_280, %swap3A_281] {strides = array<i32>} : memref<96x128xf32, #tpu.memory_space<vmem>>, vector<16xf32>,
      tpu.vector_store %arg5[%swap3A_280, %swap3A_281], %broadcast_in_dim3A_3 {strides = array<i32>} : memref<96x128xf32, #tpu.memory_space<vmem>>, vector<16xf32>,
      %mul3A_283 = arith.constant 16 : i32
      %mul3A_284 = arith.muli %scan3A_19, %mul3A_283 : i32
      %swap3A_285 = arith.constant 44 : i32
      %swap3A_286 = arith.index_cast %swap3A_285 : i32 to index
      %swap3A_287 = arith.index_cast %mul3A_284 : i32 to index
      %swap3A_288 = tpu.vector_load %arg5[%swap3A_286, %swap3A_287] {strides = array<i32>} : memref<96x128xf32, #tpu.memory_space<vmem>>, vector<16xf32>,
      tpu.vector_store %arg5[%swap3A_286, %swap3A_287], %broadcast_in_dim3A_3 {strides = array<i32>} : memref<96x128xf32, #tpu.memory_space<vmem>>, vector<16xf32>,
      %mul3A_289 = arith.constant 16 : i32
      %mul3A_290 = arith.muli %scan3A_19, %mul3A_289 : i32
      %swap3A_291 = arith.constant 45 : i32
      %swap3A_292 = arith.index_cast %swap3A_291 : i32 to index
      %swap3A_293 = arith.index_cast %mul3A_290 : i32 to index
      %swap3A_294 = tpu.vector_load %arg5[%swap3A_292, %swap3A_293] {strides = array<i32>} : memref<96x128xf32, #tpu.memory_space<vmem>>, vector<16xf32>,
      tpu.vector_store %arg5[%swap3A_292, %swap3A_293], %broadcast_in_dim3A_3 {strides = array<i32>} : memref<96x128xf32, #tpu.memory_space<vmem>>, vector<16xf32>,
      %mul3A_295 = arith.constant 16 : i32
      %mul3A_296 = arith.muli %scan3A_19, %mul3A_295 : i32
      %swap3A_297 = arith.constant 46 : i32
      %swap3A_298 = arith.index_cast %swap3A_297 : i32 to index
      %swap3A_299 = arith.index_cast %mul3A_296 : i32 to index
      %swap3A_300 = tpu.vector_load %arg5[%swap3A_298, %swap3A_299] {strides = array<i32>} : memref<96x128xf32, #tpu.memory_space<vmem>>, vector<16xf32>,
      tpu.vector_store %arg5[%swap3A_298, %swap3A_299], %broadcast_in_dim3A_3 {strides = array<i32>} : memref<96x128xf32, #tpu.memory_space<vmem>>, vector<16xf32>,
      %mul3A_301 = arith.constant 16 : i32
      %mul3A_302 = arith.muli %scan3A_19, %mul3A_301 : i32
      %swap3A_303 = arith.constant 47 : i32
      %swap3A_304 = arith.index_cast %swap3A_303 : i32 to index
      %swap3A_305 = arith.index_cast %mul3A_302 : i32 to index
      %swap3A_306 = tpu.vector_load %arg5[%swap3A_304, %swap3A_305] {strides = array<i32>} : memref<96x128xf32, #tpu.memory_space<vmem>>, vector<16xf32>,
      tpu.vector_store %arg5[%swap3A_304, %swap3A_305], %broadcast_in_dim3A_3 {strides = array<i32>} : memref<96x128xf32, #tpu.memory_space<vmem>>, vector<16xf32>,
      %mul3A_307 = arith.constant 16 : i32
      %mul3A_308 = arith.muli %scan3A_19, %mul3A_307 : i32
      %swap3A_309 = arith.constant 48 : i32
      %swap3A_310 = arith.index_cast %swap3A_309 : i32 to index
      %swap3A_311 = arith.index_cast %mul3A_308 : i32 to index
      %swap3A_312 = tpu.vector_load %arg5[%swap3A_310, %swap3A_311] {strides = array<i32>} : memref<96x128xf32, #tpu.memory_space<vmem>>, vector<16xf32>,
      tpu.vector_store %arg5[%swap3A_310, %swap3A_311], %broadcast_in_dim3A_3 {strides = array<i32>} : memref<96x128xf32, #tpu.memory_space<vmem>>, vector<16xf32>,
      %mul3A_313 = arith.constant 16 : i32
      %mul3A_314 = arith.muli %scan3A_19, %mul3A_313 : i32
      %swap3A_315 = arith.constant 49 : i32
      %swap3A_316 = arith.index_cast %swap3A_315 : i32 to index
      %swap3A_317 = arith.index_cast %mul3A_314 : i32 to index
      %swap3A_318 = tpu.vector_load %arg5[%swap3A_316, %swap3A_317] {strides = array<i32>} : memref<96x128xf32, #tpu.memory_space<vmem>>, vector<16xf32>,
      tpu.vector_store %arg5[%swap3A_316, %swap3A_317], %broadcast_in_dim3A_3 {strides = array<i32>} : memref<96x128xf32, #tpu.memory_space<vmem>>, vector<16xf32>,
      %mul3A_319 = arith.constant 16 : i32
      %mul3A_320 = arith.muli %scan3A_19, %mul3A_319 : i32
      %swap3A_321 = arith.constant 50 : i32
      %swap3A_322 = arith.index_cast %swap3A_321 : i32 to index
      %swap3A_323 = arith.index_cast %mul3A_320 : i32 to index
      %swap3A_324 = tpu.vector_load %arg5[%swap3A_322, %swap3A_323] {strides = array<i32>} : memref<96x128xf32, #tpu.memory_space<vmem>>, vector<16xf32>,
      tpu.vector_store %arg5[%swap3A_322, %swap3A_323], %broadcast_in_dim3A_3 {strides = array<i32>} : memref<96x128xf32, #tpu.memory_space<vmem>>, vector<16xf32>,
      %mul3A_325 = arith.constant 16 : i32
      %mul3A_326 = arith.muli %scan3A_19, %mul3A_325 : i32
      %swap3A_327 = arith.constant 51 : i32
      %swap3A_328 = arith.index_cast %swap3A_327 : i32 to index
      %swap3A_329 = arith.index_cast %mul3A_326 : i32 to index
      %swap3A_330 = tpu.vector_load %arg5[%swap3A_328, %swap3A_329] {strides = array<i32>} : memref<96x128xf32, #tpu.memory_space<vmem>>, vector<16xf32>,
      tpu.vector_store %arg5[%swap3A_328, %swap3A_329], %broadcast_in_dim3A_3 {strides = array<i32>} : memref<96x128xf32, #tpu.memory_space<vmem>>, vector<16xf32>,
      %mul3A_331 = arith.constant 16 : i32
      %mul3A_332 = arith.muli %scan3A_19, %mul3A_331 : i32
      %swap3A_333 = arith.constant 52 : i32
      %swap3A_334 = arith.index_cast %swap3A_333 : i32 to index
      %swap3A_335 = arith.index_cast %mul3A_332 : i32 to index
      %swap3A_336 = tpu.vector_load %arg5[%swap3A_334, %swap3A_335] {strides = array<i32>} : memref<96x128xf32, #tpu.memory_space<vmem>>, vector<16xf32>,
      tpu.vector_store %arg5[%swap3A_334, %swap3A_335], %broadcast_in_dim3A_3 {strides = array<i32>} : memref<96x128xf32, #tpu.memory_space<vmem>>, vector<16xf32>,
      %mul3A_337 = arith.constant 16 : i32
      %mul3A_338 = arith.muli %scan3A_19, %mul3A_337 : i32
      %swap3A_339 = arith.constant 53 : i32
      %swap3A_340 = arith.index_cast %swap3A_339 : i32 to index
      %swap3A_341 = arith.index_cast %mul3A_338 : i32 to index
      %swap3A_342 = tpu.vector_load %arg5[%swap3A_340, %swap3A_341] {strides = array<i32>} : memref<96x128xf32, #tpu.memory_space<vmem>>, vector<16xf32>,
      tpu.vector_store %arg5[%swap3A_340, %swap3A_341], %broadcast_in_dim3A_3 {strides = array<i32>} : memref<96x128xf32, #tpu.memory_space<vmem>>, vector<16xf32>,
      %mul3A_343 = arith.constant 16 : i32
      %mul3A_344 = arith.muli %scan3A_19, %mul3A_343 : i32
      %swap3A_345 = arith.constant 54 : i32
      %swap3A_346 = arith.index_cast %swap3A_345 : i32 to index
      %swap3A_347 = arith.index_cast %mul3A_344 : i32 to index
      %swap3A_348 = tpu.vector_load %arg5[%swap3A_346, %swap3A_347] {strides = array<i32>} : memref<96x128xf32, #tpu.memory_space<vmem>>, vector<16xf32>,
      tpu.vector_store %arg5[%swap3A_346, %swap3A_347], %broadcast_in_dim3A_3 {strides = array<i32>} : memref<96x128xf32, #tpu.memory_space<vmem>>, vector<16xf32>,
      %mul3A_349 = arith.constant 16 : i32
      %mul3A_350 = arith.muli %scan3A_19, %mul3A_349 : i32
      %swap3A_351 = arith.constant 55 : i32
      %swap3A_352 = arith.index_cast %swap3A_351 : i32 to index
      %swap3A_353 = arith.index_cast %mul3A_350 : i32 to index
      %swap3A_354 = tpu.vector_load %arg5[%swap3A_352, %swap3A_353] {strides = array<i32>} : memref<96x128xf32, #tpu.memory_space<vmem>>, vector<16xf32>,
      tpu.vector_store %arg5[%swap3A_352, %swap3A_353], %broadcast_in_dim3A_3 {strides = array<i32>} : memref<96x128xf32, #tpu.memory_space<vmem>>, vector<16xf32>,
      %mul3A_355 = arith.constant 16 : i32
      %mul3A_356 = arith.muli %scan3A_19, %mul3A_355 : i32
      %swap3A_357 = arith.constant 56 : i32
      %swap3A_358 = arith.index_cast %swap3A_357 : i32 to index
      %swap3A_359 = arith.index_cast %mul3A_356 : i32 to index
      %swap3A_360 = tpu.vector_load %arg5[%swap3A_358, %swap3A_359] {strides = array<i32>} : memref<96x128xf32, #tpu.memory_space<vmem>>, vector<16xf32>,
      tpu.vector_store %arg5[%swap3A_358, %swap3A_359], %broadcast_in_dim3A_3 {strides = array<i32>} : memref<96x128xf32, #tpu.memory_space<vmem>>, vector<16xf32>,
      %mul3A_361 = arith.constant 16 : i32
      %mul3A_362 = arith.muli %scan3A_19, %mul3A_361 : i32
      %swap3A_363 = arith.constant 57 : i32
      %swap3A_364 = arith.index_cast %swap3A_363 : i32 to index
      %swap3A_365 = arith.index_cast %mul3A_362 : i32 to index
      %swap3A_366 = tpu.vector_load %arg5[%swap3A_364, %swap3A_365] {strides = array<i32>} : memref<96x128xf32, #tpu.memory_space<vmem>>, vector<16xf32>,
      tpu.vector_store %arg5[%swap3A_364, %swap3A_365], %broadcast_in_dim3A_3 {strides = array<i32>} : memref<96x128xf32, #tpu.memory_space<vmem>>, vector<16xf32>,
      %mul3A_367 = arith.constant 16 : i32
      %mul3A_368 = arith.muli %scan3A_19, %mul3A_367 : i32
      %swap3A_369 = arith.constant 58 : i32
      %swap3A_370 = arith.index_cast %swap3A_369 : i32 to index
      %swap3A_371 = arith.index_cast %mul3A_368 : i32 to index
      %swap3A_372 = tpu.vector_load %arg5[%swap3A_370, %swap3A_371] {strides = array<i32>} : memref<96x128xf32, #tpu.memory_space<vmem>>, vector<16xf32>,
      tpu.vector_store %arg5[%swap3A_370, %swap3A_371], %broadcast_in_dim3A_3 {strides = array<i32>} : memref<96x128xf32, #tpu.memory_space<vmem>>, vector<16xf32>,
      %mul3A_373 = arith.constant 16 : i32
      %mul3A_374 = arith.muli %scan3A_19, %mul3A_373 : i32
      %swap3A_375 = arith.constant 59 : i32
      %swap3A_376 = arith.index_cast %swap3A_375 : i32 to index
      %swap3A_377 = arith.index_cast %mul3A_374 : i32 to index
      %swap3A_378 = tpu.vector_load %arg5[%swap3A_376, %swap3A_377] {strides = array<i32>} : memref<96x128xf32, #tpu.memory_space<vmem>>, vector<16xf32>,
      tpu.vector_store %arg5[%swap3A_376, %swap3A_377], %broadcast_in_dim3A_3 {strides = array<i32>} : memref<96x128xf32, #tpu.memory_space<vmem>>, vector<16xf32>,
      %mul3A_379 = arith.constant 16 : i32
      %mul3A_380 = arith.muli %scan3A_19, %mul3A_379 : i32
      %swap3A_381 = arith.constant 60 : i32
      %swap3A_382 = arith.index_cast %swap3A_381 : i32 to index
      %swap3A_383 = arith.index_cast %mul3A_380 : i32 to index
      %swap3A_384 = tpu.vector_load %arg5[%swap3A_382, %swap3A_383] {strides = array<i32>} : memref<96x128xf32, #tpu.memory_space<vmem>>, vector<16xf32>,
      tpu.vector_store %arg5[%swap3A_382, %swap3A_383], %broadcast_in_dim3A_3 {strides = array<i32>} : memref<96x128xf32, #tpu.memory_space<vmem>>, vector<16xf32>,
      %mul3A_385 = arith.constant 16 : i32
      %mul3A_386 = arith.muli %scan3A_19, %mul3A_385 : i32
      %swap3A_387 = arith.constant 61 : i32
      %swap3A_388 = arith.index_cast %swap3A_387 : i32 to index
      %swap3A_389 = arith.index_cast %mul3A_386 : i32 to index
      %swap3A_390 = tpu.vector_load %arg5[%swap3A_388, %swap3A_389] {strides = array<i32>} : memref<96x128xf32, #tpu.memory_space<vmem>>, vector<16xf32>,
      tpu.vector_store %arg5[%swap3A_388, %swap3A_389], %broadcast_in_dim3A_3 {strides = array<i32>} : memref<96x128xf32, #tpu.memory_space<vmem>>, vector<16xf32>,
      %mul3A_391 = arith.constant 16 : i32
      %mul3A_392 = arith.muli %scan3A_19, %mul3A_391 : i32
      %swap3A_393 = arith.constant 62 : i32
      %swap3A_394 = arith.index_cast %swap3A_393 : i32 to index
      %swap3A_395 = arith.index_cast %mul3A_392 : i32 to index
      %swap3A_396 = tpu.vector_load %arg5[%swap3A_394, %swap3A_395] {strides = array<i32>} : memref<96x128xf32, #tpu.memory_space<vmem>>, vector<16xf32>,
      tpu.vector_store %arg5[%swap3A_394, %swap3A_395], %broadcast_in_dim3A_3 {strides = array<i32>} : memref<96x128xf32, #tpu.memory_space<vmem>>, vector<16xf32>,
      %mul3A_397 = arith.constant 16 : i32
      %mul3A_398 = arith.muli %scan3A_19, %mul3A_397 : i32
      %swap3A_399 = arith.constant 63 : i32
      %swap3A_400 = arith.index_cast %swap3A_399 : i32 to index
      %swap3A_401 = arith.index_cast %mul3A_398 : i32 to index
      %swap3A_402 = tpu.vector_load %arg5[%swap3A_400, %swap3A_401] {strides = array<i32>} : memref<96x128xf32, #tpu.memory_space<vmem>>, vector<16xf32>,
      tpu.vector_store %arg5[%swap3A_400, %swap3A_401], %broadcast_in_dim3A_3 {strides = array<i32>} : memref<96x128xf32, #tpu.memory_space<vmem>>, vector<16xf32>,
      %mul3A_403 = arith.constant 16 : i32
      %mul3A_404 = arith.muli %scan3A_19, %mul3A_403 : i32
      %swap3A_405 = arith.constant 64 : i32
      %swap3A_406 = arith.index_cast %swap3A_405 : i32 to index
      %swap3A_407 = arith.index_cast %mul3A_404 : i32 to index
      %swap3A_408 = tpu.vector_load %arg5[%swap3A_406, %swap3A_407] {strides = array<i32>} : memref<96x128xf32, #tpu.memory_space<vmem>>, vector<16xf32>,
      tpu.vector_store %arg5[%swap3A_406, %swap3A_407], %broadcast_in_dim3A_3 {strides = array<i32>} : memref<96x128xf32, #tpu.memory_space<vmem>>, vector<16xf32>,
      %mul3A_409 = arith.constant 16 : i32
      %mul3A_410 = arith.muli %scan3A_19, %mul3A_409 : i32
      %swap3A_411 = arith.constant 65 : i32
      %swap3A_412 = arith.index_cast %swap3A_411 : i32 to index
      %swap3A_413 = arith.index_cast %mul3A_410 : i32 to index
      %swap3A_414 = tpu.vector_load %arg5[%swap3A_412, %swap3A_413] {strides = array<i32>} : memref<96x128xf32, #tpu.memory_space<vmem>>, vector<16xf32>,
      tpu.vector_store %arg5[%swap3A_412, %swap3A_413], %broadcast_in_dim3A_3 {strides = array<i32>} : memref<96x128xf32, #tpu.memory_space<vmem>>, vector<16xf32>,
      %mul3A_415 = arith.constant 16 : i32
      %mul3A_416 = arith.muli %scan3A_19, %mul3A_415 : i32
      %swap3A_417 = arith.constant 66 : i32
      %swap3A_418 = arith.index_cast %swap3A_417 : i32 to index
      %swap3A_419 = arith.index_cast %mul3A_416 : i32 to index
      %swap3A_420 = tpu.vector_load %arg5[%swap3A_418, %swap3A_419] {strides = array<i32>} : memref<96x128xf32, #tpu.memory_space<vmem>>, vector<16xf32>,
      tpu.vector_store %arg5[%swap3A_418, %swap3A_419], %broadcast_in_dim3A_3 {strides = array<i32>} : memref<96x128xf32, #tpu.memory_space<vmem>>, vector<16xf32>,
      %mul3A_421 = arith.constant 16 : i32
      %mul3A_422 = arith.muli %scan3A_19, %mul3A_421 : i32
      %swap3A_423 = arith.constant 67 : i32
      %swap3A_424 = arith.index_cast %swap3A_423 : i32 to index
      %swap3A_425 = arith.index_cast %mul3A_422 : i32 to index
      %swap3A_426 = tpu.vector_load %arg5[%swap3A_424, %swap3A_425] {strides = array<i32>} : memref<96x128xf32, #tpu.memory_space<vmem>>, vector<16xf32>,
      tpu.vector_store %arg5[%swap3A_424, %swap3A_425], %broadcast_in_dim3A_3 {strides = array<i32>} : memref<96x128xf32, #tpu.memory_space<vmem>>, vector<16xf32>,
      %mul3A_427 = arith.constant 16 : i32
      %mul3A_428 = arith.muli %scan3A_19, %mul3A_427 : i32
      %swap3A_429 = arith.constant 68 : i32
      %swap3A_430 = arith.index_cast %swap3A_429 : i32 to index
      %swap3A_431 = arith.index_cast %mul3A_428 : i32 to index
      %swap3A_432 = tpu.vector_load %arg5[%swap3A_430, %swap3A_431] {strides = array<i32>} : memref<96x128xf32, #tpu.memory_space<vmem>>, vector<16xf32>,
      tpu.vector_store %arg5[%swap3A_430, %swap3A_431], %broadcast_in_dim3A_3 {strides = array<i32>} : memref<96x128xf32, #tpu.memory_space<vmem>>, vector<16xf32>,
      %mul3A_433 = arith.constant 16 : i32
      %mul3A_434 = arith.muli %scan3A_19, %mul3A_433 : i32
      %swap3A_435 = arith.constant 69 : i32
      %swap3A_436 = arith.index_cast %swap3A_435 : i32 to index
      %swap3A_437 = arith.index_cast %mul3A_434 : i32 to index
      %swap3A_438 = tpu.vector_load %arg5[%swap3A_436, %swap3A_437] {strides = array<i32>} : memref<96x128xf32, #tpu.memory_space<vmem>>, vector<16xf32>,
      tpu.vector_store %arg5[%swap3A_436, %swap3A_437], %broadcast_in_dim3A_3 {strides = array<i32>} : memref<96x128xf32, #tpu.memory_space<vmem>>, vector<16xf32>,
      %mul3A_439 = arith.constant 16 : i32
      %mul3A_440 = arith.muli %scan3A_19, %mul3A_439 : i32
      %swap3A_441 = arith.constant 70 : i32
      %swap3A_442 = arith.index_cast %swap3A_441 : i32 to index
      %swap3A_443 = arith.index_cast %mul3A_440 : i32 to index
      %swap3A_444 = tpu.vector_load %arg5[%swap3A_442, %swap3A_443] {strides = array<i32>} : memref<96x128xf32, #tpu.memory_space<vmem>>, vector<16xf32>,
      tpu.vector_store %arg5[%swap3A_442, %swap3A_443], %broadcast_in_dim3A_3 {strides = array<i32>} : memref<96x128xf32, #tpu.memory_space<vmem>>, vector<16xf32>,
      %mul3A_445 = arith.constant 16 : i32
      %mul3A_446 = arith.muli %scan3A_19, %mul3A_445 : i32
      %swap3A_447 = arith.constant 71 : i32
      %swap3A_448 = arith.index_cast %swap3A_447 : i32 to index
      %swap3A_449 = arith.index_cast %mul3A_446 : i32 to index
      %swap3A_450 = tpu.vector_load %arg5[%swap3A_448, %swap3A_449] {strides = array<i32>} : memref<96x128xf32, #tpu.memory_space<vmem>>, vector<16xf32>,
      tpu.vector_store %arg5[%swap3A_448, %swap3A_449], %broadcast_in_dim3A_3 {strides = array<i32>} : memref<96x128xf32, #tpu.memory_space<vmem>>, vector<16xf32>,
      %mul3A_451 = arith.constant 16 : i32
      %mul3A_452 = arith.muli %scan3A_19, %mul3A_451 : i32
      %swap3A_453 = arith.constant 72 : i32
      %swap3A_454 = arith.index_cast %swap3A_453 : i32 to index
      %swap3A_455 = arith.index_cast %mul3A_452 : i32 to index
      %swap3A_456 = tpu.vector_load %arg5[%swap3A_454, %swap3A_455] {strides = array<i32>} : memref<96x128xf32, #tpu.memory_space<vmem>>, vector<16xf32>,
      tpu.vector_store %arg5[%swap3A_454, %swap3A_455], %broadcast_in_dim3A_3 {strides = array<i32>} : memref<96x128xf32, #tpu.memory_space<vmem>>, vector<16xf32>,
      %mul3A_457 = arith.constant 16 : i32
      %mul3A_458 = arith.muli %scan3A_19, %mul3A_457 : i32
      %swap3A_459 = arith.constant 73 : i32
      %swap3A_460 = arith.index_cast %swap3A_459 : i32 to index
      %swap3A_461 = arith.index_cast %mul3A_458 : i32 to index
      %swap3A_462 = tpu.vector_load %arg5[%swap3A_460, %swap3A_461] {strides = array<i32>} : memref<96x128xf32, #tpu.memory_space<vmem>>, vector<16xf32>,
      tpu.vector_store %arg5[%swap3A_460, %swap3A_461], %broadcast_in_dim3A_3 {strides = array<i32>} : memref<96x128xf32, #tpu.memory_space<vmem>>, vector<16xf32>,
      %mul3A_463 = arith.constant 16 : i32
      %mul3A_464 = arith.muli %scan3A_19, %mul3A_463 : i32
      %swap3A_465 = arith.constant 74 : i32
      %swap3A_466 = arith.index_cast %swap3A_465 : i32 to index
      %swap3A_467 = arith.index_cast %mul3A_464 : i32 to index
      %swap3A_468 = tpu.vector_load %arg5[%swap3A_466, %swap3A_467] {strides = array<i32>} : memref<96x128xf32, #tpu.memory_space<vmem>>, vector<16xf32>,
      tpu.vector_store %arg5[%swap3A_466, %swap3A_467], %broadcast_in_dim3A_3 {strides = array<i32>} : memref<96x128xf32, #tpu.memory_space<vmem>>, vector<16xf32>,
      %mul3A_469 = arith.constant 16 : i32
      %mul3A_470 = arith.muli %scan3A_19, %mul3A_469 : i32
      %swap3A_471 = arith.constant 75 : i32
      %swap3A_472 = arith.index_cast %swap3A_471 : i32 to index
      %swap3A_473 = arith.index_cast %mul3A_470 : i32 to index
      %swap3A_474 = tpu.vector_load %arg5[%swap3A_472, %swap3A_473] {strides = array<i32>} : memref<96x128xf32, #tpu.memory_space<vmem>>, vector<16xf32>,
      tpu.vector_store %arg5[%swap3A_472, %swap3A_473], %broadcast_in_dim3A_3 {strides = array<i32>} : memref<96x128xf32, #tpu.memory_space<vmem>>, vector<16xf32>,
      %mul3A_475 = arith.constant 16 : i32
      %mul3A_476 = arith.muli %scan3A_19, %mul3A_475 : i32
      %swap3A_477 = arith.constant 76 : i32
      %swap3A_478 = arith.index_cast %swap3A_477 : i32 to index
      %swap3A_479 = arith.index_cast %mul3A_476 : i32 to index
      %swap3A_480 = tpu.vector_load %arg5[%swap3A_478, %swap3A_479] {strides = array<i32>} : memref<96x128xf32, #tpu.memory_space<vmem>>, vector<16xf32>,
      tpu.vector_store %arg5[%swap3A_478, %swap3A_479], %broadcast_in_dim3A_3 {strides = array<i32>} : memref<96x128xf32, #tpu.memory_space<vmem>>, vector<16xf32>,
      %mul3A_481 = arith.constant 16 : i32
      %mul3A_482 = arith.muli %scan3A_19, %mul3A_481 : i32
      %swap3A_483 = arith.constant 77 : i32
      %swap3A_484 = arith.index_cast %swap3A_483 : i32 to index
      %swap3A_485 = arith.index_cast %mul3A_482 : i32 to index
      %swap3A_486 = tpu.vector_load %arg5[%swap3A_484, %swap3A_485] {strides = array<i32>} : memref<96x128xf32, #tpu.memory_space<vmem>>, vector<16xf32>,
      tpu.vector_store %arg5[%swap3A_484, %swap3A_485], %broadcast_in_dim3A_3 {strides = array<i32>} : memref<96x128xf32, #tpu.memory_space<vmem>>, vector<16xf32>,
      %mul3A_487 = arith.constant 16 : i32
      %mul3A_488 = arith.muli %scan3A_19, %mul3A_487 : i32
      %swap3A_489 = arith.constant 78 : i32
      %swap3A_490 = arith.index_cast %swap3A_489 : i32 to index
      %swap3A_491 = arith.index_cast %mul3A_488 : i32 to index
      %swap3A_492 = tpu.vector_load %arg5[%swap3A_490, %swap3A_491] {strides = array<i32>} : memref<96x128xf32, #tpu.memory_space<vmem>>, vector<16xf32>,
      tpu.vector_store %arg5[%swap3A_490, %swap3A_491], %broadcast_in_dim3A_3 {strides = array<i32>} : memref<96x128xf32, #tpu.memory_space<vmem>>, vector<16xf32>,
      %mul3A_493 = arith.constant 16 : i32
      %mul3A_494 = arith.muli %scan3A_19, %mul3A_493 : i32
      %swap3A_495 = arith.constant 79 : i32
      %swap3A_496 = arith.index_cast %swap3A_495 : i32 to index
      %swap3A_497 = arith.index_cast %mul3A_494 : i32 to index
      %swap3A_498 = tpu.vector_load %arg5[%swap3A_496, %swap3A_497] {strides = array<i32>} : memref<96x128xf32, #tpu.memory_space<vmem>>, vector<16xf32>,
      tpu.vector_store %arg5[%swap3A_496, %swap3A_497], %broadcast_in_dim3A_3 {strides = array<i32>} : memref<96x128xf32, #tpu.memory_space<vmem>>, vector<16xf32>,
      %mul3A_499 = arith.constant 16 : i32
      %mul3A_500 = arith.muli %scan3A_19, %mul3A_499 : i32
      %swap3A_501 = arith.constant 80 : i32
      %swap3A_502 = arith.index_cast %swap3A_501 : i32 to index
      %swap3A_503 = arith.index_cast %mul3A_500 : i32 to index
      %swap3A_504 = tpu.vector_load %arg5[%swap3A_502, %swap3A_503] {strides = array<i32>} : memref<96x128xf32, #tpu.memory_space<vmem>>, vector<16xf32>,
      tpu.vector_store %arg5[%swap3A_502, %swap3A_503], %broadcast_in_dim3A_3 {strides = array<i32>} : memref<96x128xf32, #tpu.memory_space<vmem>>, vector<16xf32>,
      %mul3A_505 = arith.constant 16 : i32
      %mul3A_506 = arith.muli %scan3A_19, %mul3A_505 : i32
      %swap3A_507 = arith.constant 81 : i32
      %swap3A_508 = arith.index_cast %swap3A_507 : i32 to index
      %swap3A_509 = arith.index_cast %mul3A_506 : i32 to index
      %swap3A_510 = tpu.vector_load %arg5[%swap3A_508, %swap3A_509] {strides = array<i32>} : memref<96x128xf32, #tpu.memory_space<vmem>>, vector<16xf32>,
      tpu.vector_store %arg5[%swap3A_508, %swap3A_509], %broadcast_in_dim3A_3 {strides = array<i32>} : memref<96x128xf32, #tpu.memory_space<vmem>>, vector<16xf32>,
      %mul3A_511 = arith.constant 16 : i32
      %mul3A_512 = arith.muli %scan3A_19, %mul3A_511 : i32
      %swap3A_513 = arith.constant 82 : i32
      %swap3A_514 = arith.index_cast %swap3A_513 : i32 to index
      %swap3A_515 = arith.index_cast %mul3A_512 : i32 to index
      %swap3A_516 = tpu.vector_load %arg5[%swap3A_514, %swap3A_515] {strides = array<i32>} : memref<96x128xf32, #tpu.memory_space<vmem>>, vector<16xf32>,
      tpu.vector_store %arg5[%swap3A_514, %swap3A_515], %broadcast_in_dim3A_3 {strides = array<i32>} : memref<96x128xf32, #tpu.memory_space<vmem>>, vector<16xf32>,
      %mul3A_517 = arith.constant 16 : i32
      %mul3A_518 = arith.muli %scan3A_19, %mul3A_517 : i32
      %swap3A_519 = arith.constant 83 : i32
      %swap3A_520 = arith.index_cast %swap3A_519 : i32 to index
      %swap3A_521 = arith.index_cast %mul3A_518 : i32 to index
      %swap3A_522 = tpu.vector_load %arg5[%swap3A_520, %swap3A_521] {strides = array<i32>} : memref<96x128xf32, #tpu.memory_space<vmem>>, vector<16xf32>,
      tpu.vector_store %arg5[%swap3A_520, %swap3A_521], %broadcast_in_dim3A_3 {strides = array<i32>} : memref<96x128xf32, #tpu.memory_space<vmem>>, vector<16xf32>,
      %mul3A_523 = arith.constant 16 : i32
      %mul3A_524 = arith.muli %scan3A_19, %mul3A_523 : i32
      %swap3A_525 = arith.constant 84 : i32
      %swap3A_526 = arith.index_cast %swap3A_525 : i32 to index
      %swap3A_527 = arith.index_cast %mul3A_524 : i32 to index
      %swap3A_528 = tpu.vector_load %arg5[%swap3A_526, %swap3A_527] {strides = array<i32>} : memref<96x128xf32, #tpu.memory_space<vmem>>, vector<16xf32>,
      tpu.vector_store %arg5[%swap3A_526, %swap3A_527], %broadcast_in_dim3A_3 {strides = array<i32>} : memref<96x128xf32, #tpu.memory_space<vmem>>, vector<16xf32>,
      %mul3A_529 = arith.constant 16 : i32
      %mul3A_530 = arith.muli %scan3A_19, %mul3A_529 : i32
      %swap3A_531 = arith.constant 85 : i32
      %swap3A_532 = arith.index_cast %swap3A_531 : i32 to index
      %swap3A_533 = arith.index_cast %mul3A_530 : i32 to index
      %swap3A_534 = tpu.vector_load %arg5[%swap3A_532, %swap3A_533] {strides = array<i32>} : memref<96x128xf32, #tpu.memory_space<vmem>>, vector<16xf32>,
      tpu.vector_store %arg5[%swap3A_532, %swap3A_533], %broadcast_in_dim3A_3 {strides = array<i32>} : memref<96x128xf32, #tpu.memory_space<vmem>>, vector<16xf32>,
      %mul3A_535 = arith.constant 16 : i32
      %mul3A_536 = arith.muli %scan3A_19, %mul3A_535 : i32
      %swap3A_537 = arith.constant 86 : i32
      %swap3A_538 = arith.index_cast %swap3A_537 : i32 to index
      %swap3A_539 = arith.index_cast %mul3A_536 : i32 to index
      %swap3A_540 = tpu.vector_load %arg5[%swap3A_538, %swap3A_539] {strides = array<i32>} : memref<96x128xf32, #tpu.memory_space<vmem>>, vector<16xf32>,
      tpu.vector_store %arg5[%swap3A_538, %swap3A_539], %broadcast_in_dim3A_3 {strides = array<i32>} : memref<96x128xf32, #tpu.memory_space<vmem>>, vector<16xf32>,
      %mul3A_541 = arith.constant 16 : i32
      %mul3A_542 = arith.muli %scan3A_19, %mul3A_541 : i32
      %swap3A_543 = arith.constant 87 : i32
      %swap3A_544 = arith.index_cast %swap3A_543 : i32 to index
      %swap3A_545 = arith.index_cast %mul3A_542 : i32 to index
      %swap3A_546 = tpu.vector_load %arg5[%swap3A_544, %swap3A_545] {strides = array<i32>} : memref<96x128xf32, #tpu.memory_space<vmem>>, vector<16xf32>,
      tpu.vector_store %arg5[%swap3A_544, %swap3A_545], %broadcast_in_dim3A_3 {strides = array<i32>} : memref<96x128xf32, #tpu.memory_space<vmem>>, vector<16xf32>,
      %mul3A_547 = arith.constant 16 : i32
      %mul3A_548 = arith.muli %scan3A_19, %mul3A_547 : i32
      %swap3A_549 = arith.constant 88 : i32
      %swap3A_550 = arith.index_cast %swap3A_549 : i32 to index
      %swap3A_551 = arith.index_cast %mul3A_548 : i32 to index
      %swap3A_552 = tpu.vector_load %arg5[%swap3A_550, %swap3A_551] {strides = array<i32>} : memref<96x128xf32, #tpu.memory_space<vmem>>, vector<16xf32>,
      tpu.vector_store %arg5[%swap3A_550, %swap3A_551], %broadcast_in_dim3A_3 {strides = array<i32>} : memref<96x128xf32, #tpu.memory_space<vmem>>, vector<16xf32>,
      %mul3A_553 = arith.constant 16 : i32
      %mul3A_554 = arith.muli %scan3A_19, %mul3A_553 : i32
      %swap3A_555 = arith.constant 89 : i32
      %swap3A_556 = arith.index_cast %swap3A_555 : i32 to index
      %swap3A_557 = arith.index_cast %mul3A_554 : i32 to index
      %swap3A_558 = tpu.vector_load %arg5[%swap3A_556, %swap3A_557] {strides = array<i32>} : memref<96x128xf32, #tpu.memory_space<vmem>>, vector<16xf32>,
      tpu.vector_store %arg5[%swap3A_556, %swap3A_557], %broadcast_in_dim3A_3 {strides = array<i32>} : memref<96x128xf32, #tpu.memory_space<vmem>>, vector<16xf32>,
      %mul3A_559 = arith.constant 16 : i32
      %mul3A_560 = arith.muli %scan3A_19, %mul3A_559 : i32
      %swap3A_561 = arith.constant 90 : i32
      %swap3A_562 = arith.index_cast %swap3A_561 : i32 to index
      %swap3A_563 = arith.index_cast %mul3A_560 : i32 to index
      %swap3A_564 = tpu.vector_load %arg5[%swap3A_562, %swap3A_563] {strides = array<i32>} : memref<96x128xf32, #tpu.memory_space<vmem>>, vector<16xf32>,
      tpu.vector_store %arg5[%swap3A_562, %swap3A_563], %broadcast_in_dim3A_3 {strides = array<i32>} : memref<96x128xf32, #tpu.memory_space<vmem>>, vector<16xf32>,
      %mul3A_565 = arith.constant 16 : i32
      %mul3A_566 = arith.muli %scan3A_19, %mul3A_565 : i32
      %swap3A_567 = arith.constant 91 : i32
      %swap3A_568 = arith.index_cast %swap3A_567 : i32 to index
      %swap3A_569 = arith.index_cast %mul3A_566 : i32 to index
      %swap3A_570 = tpu.vector_load %arg5[%swap3A_568, %swap3A_569] {strides = array<i32>} : memref<96x128xf32, #tpu.memory_space<vmem>>, vector<16xf32>,
      tpu.vector_store %arg5[%swap3A_568, %swap3A_569], %broadcast_in_dim3A_3 {strides = array<i32>} : memref<96x128xf32, #tpu.memory_space<vmem>>, vector<16xf32>,
      %mul3A_571 = arith.constant 16 : i32
      %mul3A_572 = arith.muli %scan3A_19, %mul3A_571 : i32
      %swap3A_573 = arith.constant 92 : i32
      %swap3A_574 = arith.index_cast %swap3A_573 : i32 to index
      %swap3A_575 = arith.index_cast %mul3A_572 : i32 to index
      %swap3A_576 = tpu.vector_load %arg5[%swap3A_574, %swap3A_575] {strides = array<i32>} : memref<96x128xf32, #tpu.memory_space<vmem>>, vector<16xf32>,
      tpu.vector_store %arg5[%swap3A_574, %swap3A_575], %broadcast_in_dim3A_3 {strides = array<i32>} : memref<96x128xf32, #tpu.memory_space<vmem>>, vector<16xf32>,
      %mul3A_577 = arith.constant 16 : i32
      %mul3A_578 = arith.muli %scan3A_19, %mul3A_577 : i32
      %swap3A_579 = arith.constant 93 : i32
      %swap3A_580 = arith.index_cast %swap3A_579 : i32 to index
      %swap3A_581 = arith.index_cast %mul3A_578 : i32 to index
      %swap3A_582 = tpu.vector_load %arg5[%swap3A_580, %swap3A_581] {strides = array<i32>} : memref<96x128xf32, #tpu.memory_space<vmem>>, vector<16xf32>,
      tpu.vector_store %arg5[%swap3A_580, %swap3A_581], %broadcast_in_dim3A_3 {strides = array<i32>} : memref<96x128xf32, #tpu.memory_space<vmem>>, vector<16xf32>,
      %mul3A_583 = arith.constant 16 : i32
      %mul3A_584 = arith.muli %scan3A_19, %mul3A_583 : i32
      %swap3A_585 = arith.constant 94 : i32
      %swap3A_586 = arith.index_cast %swap3A_585 : i32 to index
      %swap3A_587 = arith.index_cast %mul3A_584 : i32 to index
      %swap3A_588 = tpu.vector_load %arg5[%swap3A_586, %swap3A_587] {strides = array<i32>} : memref<96x128xf32, #tpu.memory_space<vmem>>, vector<16xf32>,
      tpu.vector_store %arg5[%swap3A_586, %swap3A_587], %broadcast_in_dim3A_3 {strides = array<i32>} : memref<96x128xf32, #tpu.memory_space<vmem>>, vector<16xf32>,
      %mul3A_589 = arith.constant 16 : i32
      %mul3A_590 = arith.muli %scan3A_19, %mul3A_589 : i32
      %swap3A_591 = arith.constant 95 : i32
      %swap3A_592 = arith.index_cast %swap3A_591 : i32 to index
      %swap3A_593 = arith.index_cast %mul3A_590 : i32 to index
      %swap3A_594 = tpu.vector_load %arg5[%swap3A_592, %swap3A_593] {strides = array<i32>} : memref<96x128xf32, #tpu.memory_space<vmem>>, vector<16xf32>,
      tpu.vector_store %arg5[%swap3A_592, %swap3A_593], %broadcast_in_dim3A_3 {strides = array<i32>} : memref<96x128xf32, #tpu.memory_space<vmem>>, vector<16xf32>,
    }
    %scan3A_8 = arith.constant 8 : i32
    %iota3A = tpu.iota {dimensions = array<i32: 0>} : vector<16xi32>
    %broadcast_in_dim3A_9 = arith.constant 1.000000e+00 : f32
    %broadcast_in_dim3A_10 = vector.broadcast %broadcast_in_dim3A_9 : f32 to vector<16xf32>
    %scan3A_11 = arith.constant 0 : i32
    %scan3A_12 = arith.constant 0 : i32
    %scan3A_13 = arith.constant 8 : i32
    %scan3A_14 = arith.addi %scan3A_12, %scan3A_13 : i32
    %scan3A_15 = arith.constant 1 : i32
    scf.for %scan3A_19 = %scan3A_12 to %scan3A_14 step %scan3A_15  : i32 {
      %mul3A_20 = arith.constant 16 : i32
      %mul3A_21 = arith.muli %scan3A_19, %mul3A_20 : i32
      %add3A_22 = vector.broadcast %mul3A_21 : i32 to vector<16xi32>
      %add3A_23 = arith.addi %iota3A, %add3A_22 : vector<16xi32>
      %mul3A_24 = arith.constant 16 : i32
      %mul3A_25 = arith.muli %scan3A_19, %mul3A_24 : i32
      %get3A = arith.constant 0 : i32
      %get3A_26 = arith.index_cast %get3A : i32 to index
      %get3A_27 = arith.index_cast %mul3A_25 : i32 to index
      %get3A_28 = tpu.vector_load %arg4[%get3A_26, %get3A_27] {strides = array<i32>} : memref<67x128xi32, #tpu.memory_space<vmem>>, vector<16xi32>,
      %add3A_29 = arith.constant 0 : i32
      %add3A_30 = vector.broadcast %add3A_29 : i32 to vector<16xi32>
      %add3A_31 = arith.addi %get3A_28, %add3A_30 : vector<16xi32>
      tpu.vector_store_idx %arg5[%add3A_31, %add3A_23], %broadcast_in_dim3A_10 {add = true} : memref<96x128xf32, #tpu.memory_space<vmem>>[vector<16xi32>, vector<16xi32>], vector<16xf32>,
      %mul3A_32 = arith.constant 16 : i32
      %mul3A_33 = arith.muli %scan3A_19, %mul3A_32 : i32
      %get3A_34 = arith.constant 1 : i32
      %get3A_35 = arith.index_cast %get3A_34 : i32 to index
      %get3A_36 = arith.index_cast %mul3A_33 : i32 to index
      %get3A_37 = tpu.vector_load %arg4[%get3A_35, %get3A_36] {strides = array<i32>} : memref<67x128xi32, #tpu.memory_space<vmem>>, vector<16xi32>,
      %add3A_38 = arith.constant 0 : i32
      %add3A_39 = vector.broadcast %add3A_38 : i32 to vector<16xi32>
      %add3A_40 = arith.addi %get3A_37, %add3A_39 : vector<16xi32>
      tpu.vector_store_idx %arg5[%add3A_40, %add3A_23], %broadcast_in_dim3A_10 {add = true} : memref<96x128xf32, #tpu.memory_space<vmem>>[vector<16xi32>, vector<16xi32>], vector<16xf32>,
      %mul3A_41 = arith.constant 16 : i32
      %mul3A_42 = arith.muli %scan3A_19, %mul3A_41 : i32
      %get3A_43 = arith.constant 2 : i32
      %get3A_44 = arith.index_cast %get3A_43 : i32 to index
      %get3A_45 = arith.index_cast %mul3A_42 : i32 to index
      %get3A_46 = tpu.vector_load %arg4[%get3A_44, %get3A_45] {strides = array<i32>} : memref<67x128xi32, #tpu.memory_space<vmem>>, vector<16xi32>,
      %add3A_47 = arith.constant 0 : i32
      %add3A_48 = vector.broadcast %add3A_47 : i32 to vector<16xi32>
      %add3A_49 = arith.addi %get3A_46, %add3A_48 : vector<16xi32>
      tpu.vector_store_idx %arg5[%add3A_49, %add3A_23], %broadcast_in_dim3A_10 {add = true} : memref<96x128xf32, #tpu.memory_space<vmem>>[vector<16xi32>, vector<16xi32>], vector<16xf32>,
      %mul3A_50 = arith.constant 16 : i32
      %mul3A_51 = arith.muli %scan3A_19, %mul3A_50 : i32
      %get3A_52 = arith.constant 3 : i32
      %get3A_53 = arith.index_cast %get3A_52 : i32 to index
      %get3A_54 = arith.index_cast %mul3A_51 : i32 to index
      %get3A_55 = tpu.vector_load %arg4[%get3A_53, %get3A_54] {strides = array<i32>} : memref<67x128xi32, #tpu.memory_space<vmem>>, vector<16xi32>,
      %add3A_56 = arith.constant 0 : i32
      %add3A_57 = vector.broadcast %add3A_56 : i32 to vector<16xi32>
      %add3A_58 = arith.addi %get3A_55, %add3A_57 : vector<16xi32>
      tpu.vector_store_idx %arg5[%add3A_58, %add3A_23], %broadcast_in_dim3A_10 {add = true} : memref<96x128xf32, #tpu.memory_space<vmem>>[vector<16xi32>, vector<16xi32>], vector<16xf32>,
      %mul3A_59 = arith.constant 16 : i32
      %mul3A_60 = arith.muli %scan3A_19, %mul3A_59 : i32
      %get3A_61 = arith.constant 4 : i32
      %get3A_62 = arith.index_cast %get3A_61 : i32 to index
      %get3A_63 = arith.index_cast %mul3A_60 : i32 to index
      %get3A_64 = tpu.vector_load %arg4[%get3A_62, %get3A_63] {strides = array<i32>} : memref<67x128xi32, #tpu.memory_space<vmem>>, vector<16xi32>,
      %add3A_65 = arith.constant 0 : i32
      %add3A_66 = vector.broadcast %add3A_65 : i32 to vector<16xi32>
      %add3A_67 = arith.addi %get3A_64, %add3A_66 : vector<16xi32>
      tpu.vector_store_idx %arg5[%add3A_67, %add3A_23], %broadcast_in_dim3A_10 {add = true} : memref<96x128xf32, #tpu.memory_space<vmem>>[vector<16xi32>, vector<16xi32>], vector<16xf32>,
      %mul3A_68 = arith.constant 16 : i32
      %mul3A_69 = arith.muli %scan3A_19, %mul3A_68 : i32
      %get3A_70 = arith.constant 5 : i32
      %get3A_71 = arith.index_cast %get3A_70 : i32 to index
      %get3A_72 = arith.index_cast %mul3A_69 : i32 to index
      %get3A_73 = tpu.vector_load %arg4[%get3A_71, %get3A_72] {strides = array<i32>} : memref<67x128xi32, #tpu.memory_space<vmem>>, vector<16xi32>,
      %add3A_74 = arith.constant 0 : i32
      %add3A_75 = vector.broadcast %add3A_74 : i32 to vector<16xi32>
      %add3A_76 = arith.addi %get3A_73, %add3A_75 : vector<16xi32>
      tpu.vector_store_idx %arg5[%add3A_76, %add3A_23], %broadcast_in_dim3A_10 {add = true} : memref<96x128xf32, #tpu.memory_space<vmem>>[vector<16xi32>, vector<16xi32>], vector<16xf32>,
      %mul3A_77 = arith.constant 16 : i32
      %mul3A_78 = arith.muli %scan3A_19, %mul3A_77 : i32
      %get3A_79 = arith.constant 6 : i32
      %get3A_80 = arith.index_cast %get3A_79 : i32 to index
      %get3A_81 = arith.index_cast %mul3A_78 : i32 to index
      %get3A_82 = tpu.vector_load %arg4[%get3A_80, %get3A_81] {strides = array<i32>} : memref<67x128xi32, #tpu.memory_space<vmem>>, vector<16xi32>,
      %add3A_83 = arith.constant 0 : i32
      %add3A_84 = vector.broadcast %add3A_83 : i32 to vector<16xi32>
      %add3A_85 = arith.addi %get3A_82, %add3A_84 : vector<16xi32>
      tpu.vector_store_idx %arg5[%add3A_85, %add3A_23], %broadcast_in_dim3A_10 {add = true} : memref<96x128xf32, #tpu.memory_space<vmem>>[vector<16xi32>, vector<16xi32>], vector<16xf32>,
      %mul3A_86 = arith.constant 16 : i32
      %mul3A_87 = arith.muli %scan3A_19, %mul3A_86 : i32
      %get3A_88 = arith.constant 7 : i32
      %get3A_89 = arith.index_cast %get3A_88 : i32 to index
      %get3A_90 = arith.index_cast %mul3A_87 : i32 to index
      %get3A_91 = tpu.vector_load %arg4[%get3A_89, %get3A_90] {strides = array<i32>} : memref<67x128xi32, #tpu.memory_space<vmem>>, vector<16xi32>,
      %add3A_92 = arith.constant 0 : i32
      %add3A_93 = vector.broadcast %add3A_92 : i32 to vector<16xi32>
      %add3A_94 = arith.addi %get3A_91, %add3A_93 : vector<16xi32>
      tpu.vector_store_idx %arg5[%add3A_94, %add3A_23], %broadcast_in_dim3A_10 {add = true} : memref<96x128xf32, #tpu.memory_space<vmem>>[vector<16xi32>, vector<16xi32>], vector<16xf32>,
      %mul3A_95 = arith.constant 16 : i32
      %mul3A_96 = arith.muli %scan3A_19, %mul3A_95 : i32
      %get3A_97 = arith.constant 8 : i32
      %get3A_98 = arith.index_cast %get3A_97 : i32 to index
      %get3A_99 = arith.index_cast %mul3A_96 : i32 to index
      %get3A_100 = tpu.vector_load %arg4[%get3A_98, %get3A_99] {strides = array<i32>} : memref<67x128xi32, #tpu.memory_space<vmem>>, vector<16xi32>,
      %add3A_101 = arith.constant 0 : i32
      %add3A_102 = vector.broadcast %add3A_101 : i32 to vector<16xi32>
      %add3A_103 = arith.addi %get3A_100, %add3A_102 : vector<16xi32>
      tpu.vector_store_idx %arg5[%add3A_103, %add3A_23], %broadcast_in_dim3A_10 {add = true} : memref<96x128xf32, #tpu.memory_space<vmem>>[vector<16xi32>, vector<16xi32>], vector<16xf32>,
      %mul3A_104 = arith.constant 16 : i32
      %mul3A_105 = arith.muli %scan3A_19, %mul3A_104 : i32
      %get3A_106 = arith.constant 9 : i32
      %get3A_107 = arith.index_cast %get3A_106 : i32 to index
      %get3A_108 = arith.index_cast %mul3A_105 : i32 to index
      %get3A_109 = tpu.vector_load %arg4[%get3A_107, %get3A_108] {strides = array<i32>} : memref<67x128xi32, #tpu.memory_space<vmem>>, vector<16xi32>,
      %add3A_110 = arith.constant 0 : i32
      %add3A_111 = vector.broadcast %add3A_110 : i32 to vector<16xi32>
      %add3A_112 = arith.addi %get3A_109, %add3A_111 : vector<16xi32>
      tpu.vector_store_idx %arg5[%add3A_112, %add3A_23], %broadcast_in_dim3A_10 {add = true} : memref<96x128xf32, #tpu.memory_space<vmem>>[vector<16xi32>, vector<16xi32>], vector<16xf32>,
      %mul3A_113 = arith.constant 16 : i32
      %mul3A_114 = arith.muli %scan3A_19, %mul3A_113 : i32
      %get3A_115 = arith.constant 10 : i32
      %get3A_116 = arith.index_cast %get3A_115 : i32 to index
      %get3A_117 = arith.index_cast %mul3A_114 : i32 to index
      %get3A_118 = tpu.vector_load %arg4[%get3A_116, %get3A_117] {strides = array<i32>} : memref<67x128xi32, #tpu.memory_space<vmem>>, vector<16xi32>,
      %add3A_119 = arith.constant 0 : i32
      %add3A_120 = vector.broadcast %add3A_119 : i32 to vector<16xi32>
      %add3A_121 = arith.addi %get3A_118, %add3A_120 : vector<16xi32>
      tpu.vector_store_idx %arg5[%add3A_121, %add3A_23], %broadcast_in_dim3A_10 {add = true} : memref<96x128xf32, #tpu.memory_space<vmem>>[vector<16xi32>, vector<16xi32>], vector<16xf32>,
      %mul3A_122 = arith.constant 16 : i32
      %mul3A_123 = arith.muli %scan3A_19, %mul3A_122 : i32
      %get3A_124 = arith.constant 11 : i32
      %get3A_125 = arith.index_cast %get3A_124 : i32 to index
      %get3A_126 = arith.index_cast %mul3A_123 : i32 to index
      %get3A_127 = tpu.vector_load %arg4[%get3A_125, %get3A_126] {strides = array<i32>} : memref<67x128xi32, #tpu.memory_space<vmem>>, vector<16xi32>,
      %add3A_128 = arith.constant 24 : i32
      %add3A_129 = vector.broadcast %add3A_128 : i32 to vector<16xi32>
      %add3A_130 = arith.addi %get3A_127, %add3A_129 : vector<16xi32>
      tpu.vector_store_idx %arg5[%add3A_130, %add3A_23], %broadcast_in_dim3A_10 {add = true} : memref<96x128xf32, #tpu.memory_space<vmem>>[vector<16xi32>, vector<16xi32>], vector<16xf32>,
      %mul3A_131 = arith.constant 16 : i32
      %mul3A_132 = arith.muli %scan3A_19, %mul3A_131 : i32
      %get3A_133 = arith.constant 12 : i32
      %get3A_134 = arith.index_cast %get3A_133 : i32 to index
      %get3A_135 = arith.index_cast %mul3A_132 : i32 to index
      %get3A_136 = tpu.vector_load %arg4[%get3A_134, %get3A_135] {strides = array<i32>} : memref<67x128xi32, #tpu.memory_space<vmem>>, vector<16xi32>,
      %add3A_137 = arith.constant 24 : i32
      %add3A_138 = vector.broadcast %add3A_137 : i32 to vector<16xi32>
      %add3A_139 = arith.addi %get3A_136, %add3A_138 : vector<16xi32>
      tpu.vector_store_idx %arg5[%add3A_139, %add3A_23], %broadcast_in_dim3A_10 {add = true} : memref<96x128xf32, #tpu.memory_space<vmem>>[vector<16xi32>, vector<16xi32>], vector<16xf32>,
      %mul3A_140 = arith.constant 16 : i32
      %mul3A_141 = arith.muli %scan3A_19, %mul3A_140 : i32
      %get3A_142 = arith.constant 13 : i32
      %get3A_143 = arith.index_cast %get3A_142 : i32 to index
      %get3A_144 = arith.index_cast %mul3A_141 : i32 to index
      %get3A_145 = tpu.vector_load %arg4[%get3A_143, %get3A_144] {strides = array<i32>} : memref<67x128xi32, #tpu.memory_space<vmem>>, vector<16xi32>,
      %add3A_146 = arith.constant 24 : i32
      %add3A_147 = vector.broadcast %add3A_146 : i32 to vector<16xi32>
      %add3A_148 = arith.addi %get3A_145, %add3A_147 : vector<16xi32>
      tpu.vector_store_idx %arg5[%add3A_148, %add3A_23], %broadcast_in_dim3A_10 {add = true} : memref<96x128xf32, #tpu.memory_space<vmem>>[vector<16xi32>, vector<16xi32>], vector<16xf32>,
      %mul3A_149 = arith.constant 16 : i32
      %mul3A_150 = arith.muli %scan3A_19, %mul3A_149 : i32
      %get3A_151 = arith.constant 14 : i32
      %get3A_152 = arith.index_cast %get3A_151 : i32 to index
      %get3A_153 = arith.index_cast %mul3A_150 : i32 to index
      %get3A_154 = tpu.vector_load %arg4[%get3A_152, %get3A_153] {strides = array<i32>} : memref<67x128xi32, #tpu.memory_space<vmem>>, vector<16xi32>,
      %add3A_155 = arith.constant 24 : i32
      %add3A_156 = vector.broadcast %add3A_155 : i32 to vector<16xi32>
      %add3A_157 = arith.addi %get3A_154, %add3A_156 : vector<16xi32>
      tpu.vector_store_idx %arg5[%add3A_157, %add3A_23], %broadcast_in_dim3A_10 {add = true} : memref<96x128xf32, #tpu.memory_space<vmem>>[vector<16xi32>, vector<16xi32>], vector<16xf32>,
      %mul3A_158 = arith.constant 16 : i32
      %mul3A_159 = arith.muli %scan3A_19, %mul3A_158 : i32
      %get3A_160 = arith.constant 15 : i32
      %get3A_161 = arith.index_cast %get3A_160 : i32 to index
      %get3A_162 = arith.index_cast %mul3A_159 : i32 to index
      %get3A_163 = tpu.vector_load %arg4[%get3A_161, %get3A_162] {strides = array<i32>} : memref<67x128xi32, #tpu.memory_space<vmem>>, vector<16xi32>,
      %add3A_164 = arith.constant 24 : i32
      %add3A_165 = vector.broadcast %add3A_164 : i32 to vector<16xi32>
      %add3A_166 = arith.addi %get3A_163, %add3A_165 : vector<16xi32>
      tpu.vector_store_idx %arg5[%add3A_166, %add3A_23], %broadcast_in_dim3A_10 {add = true} : memref<96x128xf32, #tpu.memory_space<vmem>>[vector<16xi32>, vector<16xi32>], vector<16xf32>,
      %mul3A_167 = arith.constant 16 : i32
      %mul3A_168 = arith.muli %scan3A_19, %mul3A_167 : i32
      %get3A_169 = arith.constant 16 : i32
      %get3A_170 = arith.index_cast %get3A_169 : i32 to index
      %get3A_171 = arith.index_cast %mul3A_168 : i32 to index
      %get3A_172 = tpu.vector_load %arg4[%get3A_170, %get3A_171] {strides = array<i32>} : memref<67x128xi32, #tpu.memory_space<vmem>>, vector<16xi32>,
      %add3A_173 = arith.constant 24 : i32
      %add3A_174 = vector.broadcast %add3A_173 : i32 to vector<16xi32>
      %add3A_175 = arith.addi %get3A_172, %add3A_174 : vector<16xi32>
      tpu.vector_store_idx %arg5[%add3A_175, %add3A_23], %broadcast_in_dim3A_10 {add = true} : memref<96x128xf32, #tpu.memory_space<vmem>>[vector<16xi32>, vector<16xi32>], vector<16xf32>,
      %mul3A_176 = arith.constant 16 : i32
      %mul3A_177 = arith.muli %scan3A_19, %mul3A_176 : i32
      %get3A_178 = arith.constant 17 : i32
      %get3A_179 = arith.index_cast %get3A_178 : i32 to index
      %get3A_180 = arith.index_cast %mul3A_177 : i32 to index
      %get3A_181 = tpu.vector_load %arg4[%get3A_179, %get3A_180] {strides = array<i32>} : memref<67x128xi32, #tpu.memory_space<vmem>>, vector<16xi32>,
      %add3A_182 = arith.constant 24 : i32
      %add3A_183 = vector.broadcast %add3A_182 : i32 to vector<16xi32>
      %add3A_184 = arith.addi %get3A_181, %add3A_183 : vector<16xi32>
      tpu.vector_store_idx %arg5[%add3A_184, %add3A_23], %broadcast_in_dim3A_10 {add = true} : memref<96x128xf32, #tpu.memory_space<vmem>>[vector<16xi32>, vector<16xi32>], vector<16xf32>,
      %mul3A_185 = arith.constant 16 : i32
      %mul3A_186 = arith.muli %scan3A_19, %mul3A_185 : i32
      %get3A_187 = arith.constant 18 : i32
      %get3A_188 = arith.index_cast %get3A_187 : i32 to index
      %get3A_189 = arith.index_cast %mul3A_186 : i32 to index
      %get3A_190 = tpu.vector_load %arg4[%get3A_188, %get3A_189] {strides = array<i32>} : memref<67x128xi32, #tpu.memory_space<vmem>>, vector<16xi32>,
      %add3A_191 = arith.constant 24 : i32
      %add3A_192 = vector.broadcast %add3A_191 : i32 to vector<16xi32>
      %add3A_193 = arith.addi %get3A_190, %add3A_192 : vector<16xi32>
      tpu.vector_store_idx %arg5[%add3A_193, %add3A_23], %broadcast_in_dim3A_10 {add = true} : memref<96x128xf32, #tpu.memory_space<vmem>>[vector<16xi32>, vector<16xi32>], vector<16xf32>,
      %mul3A_194 = arith.constant 16 : i32
      %mul3A_195 = arith.muli %scan3A_19, %mul3A_194 : i32
      %get3A_196 = arith.constant 19 : i32
      %get3A_197 = arith.index_cast %get3A_196 : i32 to index
      %get3A_198 = arith.index_cast %mul3A_195 : i32 to index
      %get3A_199 = tpu.vector_load %arg4[%get3A_197, %get3A_198] {strides = array<i32>} : memref<67x128xi32, #tpu.memory_space<vmem>>, vector<16xi32>,
      %add3A_200 = arith.constant 24 : i32
      %add3A_201 = vector.broadcast %add3A_200 : i32 to vector<16xi32>
      %add3A_202 = arith.addi %get3A_199, %add3A_201 : vector<16xi32>
      tpu.vector_store_idx %arg5[%add3A_202, %add3A_23], %broadcast_in_dim3A_10 {add = true} : memref<96x128xf32, #tpu.memory_space<vmem>>[vector<16xi32>, vector<16xi32>], vector<16xf32>,
      %mul3A_203 = arith.constant 16 : i32
      %mul3A_204 = arith.muli %scan3A_19, %mul3A_203 : i32
      %get3A_205 = arith.constant 20 : i32
      %get3A_206 = arith.index_cast %get3A_205 : i32 to index
      %get3A_207 = arith.index_cast %mul3A_204 : i32 to index
      %get3A_208 = tpu.vector_load %arg4[%get3A_206, %get3A_207] {strides = array<i32>} : memref<67x128xi32, #tpu.memory_space<vmem>>, vector<16xi32>,
      %add3A_209 = arith.constant 24 : i32
      %add3A_210 = vector.broadcast %add3A_209 : i32 to vector<16xi32>
      %add3A_211 = arith.addi %get3A_208, %add3A_210 : vector<16xi32>
      tpu.vector_store_idx %arg5[%add3A_211, %add3A_23], %broadcast_in_dim3A_10 {add = true} : memref<96x128xf32, #tpu.memory_space<vmem>>[vector<16xi32>, vector<16xi32>], vector<16xf32>,
      %mul3A_212 = arith.constant 16 : i32
      %mul3A_213 = arith.muli %scan3A_19, %mul3A_212 : i32
      %get3A_214 = arith.constant 21 : i32
      %get3A_215 = arith.index_cast %get3A_214 : i32 to index
      %get3A_216 = arith.index_cast %mul3A_213 : i32 to index
      %get3A_217 = tpu.vector_load %arg4[%get3A_215, %get3A_216] {strides = array<i32>} : memref<67x128xi32, #tpu.memory_space<vmem>>, vector<16xi32>,
      %add3A_218 = arith.constant 24 : i32
      %add3A_219 = vector.broadcast %add3A_218 : i32 to vector<16xi32>
      %add3A_220 = arith.addi %get3A_217, %add3A_219 : vector<16xi32>
      tpu.vector_store_idx %arg5[%add3A_220, %add3A_23], %broadcast_in_dim3A_10 {add = true} : memref<96x128xf32, #tpu.memory_space<vmem>>[vector<16xi32>, vector<16xi32>], vector<16xf32>,
      %mul3A_221 = arith.constant 16 : i32
      %mul3A_222 = arith.muli %scan3A_19, %mul3A_221 : i32
      %get3A_223 = arith.constant 22 : i32
      %get3A_224 = arith.index_cast %get3A_223 : i32 to index
      %get3A_225 = arith.index_cast %mul3A_222 : i32 to index
      %get3A_226 = tpu.vector_load %arg4[%get3A_224, %get3A_225] {strides = array<i32>} : memref<67x128xi32, #tpu.memory_space<vmem>>, vector<16xi32>,
      %add3A_227 = arith.constant 48 : i32
      %add3A_228 = vector.broadcast %add3A_227 : i32 to vector<16xi32>
      %add3A_229 = arith.addi %get3A_226, %add3A_228 : vector<16xi32>
      tpu.vector_store_idx %arg5[%add3A_229, %add3A_23], %broadcast_in_dim3A_10 {add = true} : memref<96x128xf32, #tpu.memory_space<vmem>>[vector<16xi32>, vector<16xi32>], vector<16xf32>,
      %mul3A_230 = arith.constant 16 : i32
      %mul3A_231 = arith.muli %scan3A_19, %mul3A_230 : i32
      %get3A_232 = arith.constant 23 : i32
      %get3A_233 = arith.index_cast %get3A_232 : i32 to index
      %get3A_234 = arith.index_cast %mul3A_231 : i32 to index
      %get3A_235 = tpu.vector_load %arg4[%get3A_233, %get3A_234] {strides = array<i32>} : memref<67x128xi32, #tpu.memory_space<vmem>>, vector<16xi32>,
      %add3A_236 = arith.constant 48 : i32
      %add3A_237 = vector.broadcast %add3A_236 : i32 to vector<16xi32>
      %add3A_238 = arith.addi %get3A_235, %add3A_237 : vector<16xi32>
      tpu.vector_store_idx %arg5[%add3A_238, %add3A_23], %broadcast_in_dim3A_10 {add = true} : memref<96x128xf32, #tpu.memory_space<vmem>>[vector<16xi32>, vector<16xi32>], vector<16xf32>,
      %mul3A_239 = arith.constant 16 : i32
      %mul3A_240 = arith.muli %scan3A_19, %mul3A_239 : i32
      %get3A_241 = arith.constant 24 : i32
      %get3A_242 = arith.index_cast %get3A_241 : i32 to index
      %get3A_243 = arith.index_cast %mul3A_240 : i32 to index
      %get3A_244 = tpu.vector_load %arg4[%get3A_242, %get3A_243] {strides = array<i32>} : memref<67x128xi32, #tpu.memory_space<vmem>>, vector<16xi32>,
      %add3A_245 = arith.constant 48 : i32
      %add3A_246 = vector.broadcast %add3A_245 : i32 to vector<16xi32>
      %add3A_247 = arith.addi %get3A_244, %add3A_246 : vector<16xi32>
      tpu.vector_store_idx %arg5[%add3A_247, %add3A_23], %broadcast_in_dim3A_10 {add = true} : memref<96x128xf32, #tpu.memory_space<vmem>>[vector<16xi32>, vector<16xi32>], vector<16xf32>,
      %mul3A_248 = arith.constant 16 : i32
      %mul3A_249 = arith.muli %scan3A_19, %mul3A_248 : i32
      %get3A_250 = arith.constant 25 : i32
      %get3A_251 = arith.index_cast %get3A_250 : i32 to index
      %get3A_252 = arith.index_cast %mul3A_249 : i32 to index
      %get3A_253 = tpu.vector_load %arg4[%get3A_251, %get3A_252] {strides = array<i32>} : memref<67x128xi32, #tpu.memory_space<vmem>>, vector<16xi32>,
      %add3A_254 = arith.constant 48 : i32
      %add3A_255 = vector.broadcast %add3A_254 : i32 to vector<16xi32>
      %add3A_256 = arith.addi %get3A_253, %add3A_255 : vector<16xi32>
      tpu.vector_store_idx %arg5[%add3A_256, %add3A_23], %broadcast_in_dim3A_10 {add = true} : memref<96x128xf32, #tpu.memory_space<vmem>>[vector<16xi32>, vector<16xi32>], vector<16xf32>,
      %mul3A_257 = arith.constant 16 : i32
      %mul3A_258 = arith.muli %scan3A_19, %mul3A_257 : i32
      %get3A_259 = arith.constant 26 : i32
      %get3A_260 = arith.index_cast %get3A_259 : i32 to index
      %get3A_261 = arith.index_cast %mul3A_258 : i32 to index
      %get3A_262 = tpu.vector_load %arg4[%get3A_260, %get3A_261] {strides = array<i32>} : memref<67x128xi32, #tpu.memory_space<vmem>>, vector<16xi32>,
      %add3A_263 = arith.constant 48 : i32
      %add3A_264 = vector.broadcast %add3A_263 : i32 to vector<16xi32>
      %add3A_265 = arith.addi %get3A_262, %add3A_264 : vector<16xi32>
      tpu.vector_store_idx %arg5[%add3A_265, %add3A_23], %broadcast_in_dim3A_10 {add = true} : memref<96x128xf32, #tpu.memory_space<vmem>>[vector<16xi32>, vector<16xi32>], vector<16xf32>,
      %mul3A_266 = arith.constant 16 : i32
      %mul3A_267 = arith.muli %scan3A_19, %mul3A_266 : i32
      %get3A_268 = arith.constant 27 : i32
      %get3A_269 = arith.index_cast %get3A_268 : i32 to index
      %get3A_270 = arith.index_cast %mul3A_267 : i32 to index
      %get3A_271 = tpu.vector_load %arg4[%get3A_269, %get3A_270] {strides = array<i32>} : memref<67x128xi32, #tpu.memory_space<vmem>>, vector<16xi32>,
      %add3A_272 = arith.constant 48 : i32
      %add3A_273 = vector.broadcast %add3A_272 : i32 to vector<16xi32>
      %add3A_274 = arith.addi %get3A_271, %add3A_273 : vector<16xi32>
      tpu.vector_store_idx %arg5[%add3A_274, %add3A_23], %broadcast_in_dim3A_10 {add = true} : memref<96x128xf32, #tpu.memory_space<vmem>>[vector<16xi32>, vector<16xi32>], vector<16xf32>,
      %mul3A_275 = arith.constant 16 : i32
      %mul3A_276 = arith.muli %scan3A_19, %mul3A_275 : i32
      %get3A_277 = arith.constant 28 : i32
      %get3A_278 = arith.index_cast %get3A_277 : i32 to index
      %get3A_279 = arith.index_cast %mul3A_276 : i32 to index
      %get3A_280 = tpu.vector_load %arg4[%get3A_278, %get3A_279] {strides = array<i32>} : memref<67x128xi32, #tpu.memory_space<vmem>>, vector<16xi32>,
      %add3A_281 = arith.constant 48 : i32
      %add3A_282 = vector.broadcast %add3A_281 : i32 to vector<16xi32>
      %add3A_283 = arith.addi %get3A_280, %add3A_282 : vector<16xi32>
      tpu.vector_store_idx %arg5[%add3A_283, %add3A_23], %broadcast_in_dim3A_10 {add = true} : memref<96x128xf32, #tpu.memory_space<vmem>>[vector<16xi32>, vector<16xi32>], vector<16xf32>,
      %mul3A_284 = arith.constant 16 : i32
      %mul3A_285 = arith.muli %scan3A_19, %mul3A_284 : i32
      %get3A_286 = arith.constant 29 : i32
      %get3A_287 = arith.index_cast %get3A_286 : i32 to index
      %get3A_288 = arith.index_cast %mul3A_285 : i32 to index
      %get3A_289 = tpu.vector_load %arg4[%get3A_287, %get3A_288] {strides = array<i32>} : memref<67x128xi32, #tpu.memory_space<vmem>>, vector<16xi32>,
      %add3A_290 = arith.constant 48 : i32
      %add3A_291 = vector.broadcast %add3A_290 : i32 to vector<16xi32>
      %add3A_292 = arith.addi %get3A_289, %add3A_291 : vector<16xi32>
      tpu.vector_store_idx %arg5[%add3A_292, %add3A_23], %broadcast_in_dim3A_10 {add = true} : memref<96x128xf32, #tpu.memory_space<vmem>>[vector<16xi32>, vector<16xi32>], vector<16xf32>,
      %mul3A_293 = arith.constant 16 : i32
      %mul3A_294 = arith.muli %scan3A_19, %mul3A_293 : i32
      %get3A_295 = arith.constant 30 : i32
      %get3A_296 = arith.index_cast %get3A_295 : i32 to index
      %get3A_297 = arith.index_cast %mul3A_294 : i32 to index
      %get3A_298 = tpu.vector_load %arg4[%get3A_296, %get3A_297] {strides = array<i32>} : memref<67x128xi32, #tpu.memory_space<vmem>>, vector<16xi32>,
      %add3A_299 = arith.constant 48 : i32
      %add3A_300 = vector.broadcast %add3A_299 : i32 to vector<16xi32>
      %add3A_301 = arith.addi %get3A_298, %add3A_300 : vector<16xi32>
      tpu.vector_store_idx %arg5[%add3A_301, %add3A_23], %broadcast_in_dim3A_10 {add = true} : memref<96x128xf32, #tpu.memory_space<vmem>>[vector<16xi32>, vector<16xi32>], vector<16xf32>,
      %mul3A_302 = arith.constant 16 : i32
      %mul3A_303 = arith.muli %scan3A_19, %mul3A_302 : i32
      %get3A_304 = arith.constant 31 : i32
      %get3A_305 = arith.index_cast %get3A_304 : i32 to index
      %get3A_306 = arith.index_cast %mul3A_303 : i32 to index
      %get3A_307 = tpu.vector_load %arg4[%get3A_305, %get3A_306] {strides = array<i32>} : memref<67x128xi32, #tpu.memory_space<vmem>>, vector<16xi32>,
      %add3A_308 = arith.constant 48 : i32
      %add3A_309 = vector.broadcast %add3A_308 : i32 to vector<16xi32>
      %add3A_310 = arith.addi %get3A_307, %add3A_309 : vector<16xi32>
      tpu.vector_store_idx %arg5[%add3A_310, %add3A_23], %broadcast_in_dim3A_10 {add = true} : memref<96x128xf32, #tpu.memory_space<vmem>>[vector<16xi32>, vector<16xi32>], vector<16xf32>,
      %mul3A_311 = arith.constant 16 : i32
      %mul3A_312 = arith.muli %scan3A_19, %mul3A_311 : i32
      %get3A_313 = arith.constant 32 : i32
      %get3A_314 = arith.index_cast %get3A_313 : i32 to index
      %get3A_315 = arith.index_cast %mul3A_312 : i32 to index
      %get3A_316 = tpu.vector_load %arg4[%get3A_314, %get3A_315] {strides = array<i32>} : memref<67x128xi32, #tpu.memory_space<vmem>>, vector<16xi32>,
      %add3A_317 = arith.constant 48 : i32
      %add3A_318 = vector.broadcast %add3A_317 : i32 to vector<16xi32>
      %add3A_319 = arith.addi %get3A_316, %add3A_318 : vector<16xi32>
      tpu.vector_store_idx %arg5[%add3A_319, %add3A_23], %broadcast_in_dim3A_10 {add = true} : memref<96x128xf32, #tpu.memory_space<vmem>>[vector<16xi32>, vector<16xi32>], vector<16xf32>,
      %mul3A_320 = arith.constant 16 : i32
      %mul3A_321 = arith.muli %scan3A_19, %mul3A_320 : i32
      %get3A_322 = arith.constant 33 : i32
      %get3A_323 = arith.index_cast %get3A_322 : i32 to index
      %get3A_324 = arith.index_cast %mul3A_321 : i32 to index
      %get3A_325 = tpu.vector_load %arg4[%get3A_323, %get3A_324] {strides = array<i32>} : memref<67x128xi32, #tpu.memory_space<vmem>>, vector<16xi32>,
      %add3A_326 = arith.constant 48 : i32
      %add3A_327 = vector.broadcast %add3A_326 : i32 to vector<16xi32>
      %add3A_328 = arith.addi %get3A_325, %add3A_327 : vector<16xi32>
      tpu.vector_store_idx %arg5[%add3A_328, %add3A_23], %broadcast_in_dim3A_10 {add = true} : memref<96x128xf32, #tpu.memory_space<vmem>>[vector<16xi32>, vector<16xi32>], vector<16xf32>,
      %mul3A_329 = arith.constant 16 : i32
      %mul3A_330 = arith.muli %scan3A_19, %mul3A_329 : i32
      %get3A_331 = arith.constant 34 : i32
      %get3A_332 = arith.index_cast %get3A_331 : i32 to index
      %get3A_333 = arith.index_cast %mul3A_330 : i32 to index
      %get3A_334 = tpu.vector_load %arg4[%get3A_332, %get3A_333] {strides = array<i32>} : memref<67x128xi32, #tpu.memory_space<vmem>>, vector<16xi32>,
      %add3A_335 = arith.constant 48 : i32
      %add3A_336 = vector.broadcast %add3A_335 : i32 to vector<16xi32>
      %add3A_337 = arith.addi %get3A_334, %add3A_336 : vector<16xi32>
      tpu.vector_store_idx %arg5[%add3A_337, %add3A_23], %broadcast_in_dim3A_10 {add = true} : memref<96x128xf32, #tpu.memory_space<vmem>>[vector<16xi32>, vector<16xi32>], vector<16xf32>,
      %mul3A_338 = arith.constant 16 : i32
      %mul3A_339 = arith.muli %scan3A_19, %mul3A_338 : i32
      %get3A_340 = arith.constant 35 : i32
      %get3A_341 = arith.index_cast %get3A_340 : i32 to index
      %get3A_342 = arith.index_cast %mul3A_339 : i32 to index
      %get3A_343 = tpu.vector_load %arg4[%get3A_341, %get3A_342] {strides = array<i32>} : memref<67x128xi32, #tpu.memory_space<vmem>>, vector<16xi32>,
      %add3A_344 = arith.constant 48 : i32
      %add3A_345 = vector.broadcast %add3A_344 : i32 to vector<16xi32>
      %add3A_346 = arith.addi %get3A_343, %add3A_345 : vector<16xi32>
      tpu.vector_store_idx %arg5[%add3A_346, %add3A_23], %broadcast_in_dim3A_10 {add = true} : memref<96x128xf32, #tpu.memory_space<vmem>>[vector<16xi32>, vector<16xi32>], vector<16xf32>,
      %mul3A_347 = arith.constant 16 : i32
      %mul3A_348 = arith.muli %scan3A_19, %mul3A_347 : i32
      %get3A_349 = arith.constant 36 : i32
      %get3A_350 = arith.index_cast %get3A_349 : i32 to index
      %get3A_351 = arith.index_cast %mul3A_348 : i32 to index
      %get3A_352 = tpu.vector_load %arg4[%get3A_350, %get3A_351] {strides = array<i32>} : memref<67x128xi32, #tpu.memory_space<vmem>>, vector<16xi32>,
      %add3A_353 = arith.constant 48 : i32
      %add3A_354 = vector.broadcast %add3A_353 : i32 to vector<16xi32>
      %add3A_355 = arith.addi %get3A_352, %add3A_354 : vector<16xi32>
      tpu.vector_store_idx %arg5[%add3A_355, %add3A_23], %broadcast_in_dim3A_10 {add = true} : memref<96x128xf32, #tpu.memory_space<vmem>>[vector<16xi32>, vector<16xi32>], vector<16xf32>,
      %mul3A_356 = arith.constant 16 : i32
      %mul3A_357 = arith.muli %scan3A_19, %mul3A_356 : i32
      %get3A_358 = arith.constant 37 : i32
      %get3A_359 = arith.index_cast %get3A_358 : i32 to index
      %get3A_360 = arith.index_cast %mul3A_357 : i32 to index
      %get3A_361 = tpu.vector_load %arg4[%get3A_359, %get3A_360] {strides = array<i32>} : memref<67x128xi32, #tpu.memory_space<vmem>>, vector<16xi32>,
      %add3A_362 = arith.constant 48 : i32
      %add3A_363 = vector.broadcast %add3A_362 : i32 to vector<16xi32>
      %add3A_364 = arith.addi %get3A_361, %add3A_363 : vector<16xi32>
      tpu.vector_store_idx %arg5[%add3A_364, %add3A_23], %broadcast_in_dim3A_10 {add = true} : memref<96x128xf32, #tpu.memory_space<vmem>>[vector<16xi32>, vector<16xi32>], vector<16xf32>,
      %mul3A_365 = arith.constant 16 : i32
      %mul3A_366 = arith.muli %scan3A_19, %mul3A_365 : i32
      %get3A_367 = arith.constant 38 : i32
      %get3A_368 = arith.index_cast %get3A_367 : i32 to index
      %get3A_369 = arith.index_cast %mul3A_366 : i32 to index
      %get3A_370 = tpu.vector_load %arg4[%get3A_368, %get3A_369] {strides = array<i32>} : memref<67x128xi32, #tpu.memory_space<vmem>>, vector<16xi32>,
      %add3A_371 = arith.constant 48 : i32
      %add3A_372 = vector.broadcast %add3A_371 : i32 to vector<16xi32>
      %add3A_373 = arith.addi %get3A_370, %add3A_372 : vector<16xi32>
      tpu.vector_store_idx %arg5[%add3A_373, %add3A_23], %broadcast_in_dim3A_10 {add = true} : memref<96x128xf32, #tpu.memory_space<vmem>>[vector<16xi32>, vector<16xi32>], vector<16xf32>,
      %mul3A_374 = arith.constant 16 : i32
      %mul3A_375 = arith.muli %scan3A_19, %mul3A_374 : i32
      %get3A_376 = arith.constant 39 : i32
      %get3A_377 = arith.index_cast %get3A_376 : i32 to index
      %get3A_378 = arith.index_cast %mul3A_375 : i32 to index
      %get3A_379 = tpu.vector_load %arg4[%get3A_377, %get3A_378] {strides = array<i32>} : memref<67x128xi32, #tpu.memory_space<vmem>>, vector<16xi32>,
      %add3A_380 = arith.constant 48 : i32
      %add3A_381 = vector.broadcast %add3A_380 : i32 to vector<16xi32>
      %add3A_382 = arith.addi %get3A_379, %add3A_381 : vector<16xi32>
      tpu.vector_store_idx %arg5[%add3A_382, %add3A_23], %broadcast_in_dim3A_10 {add = true} : memref<96x128xf32, #tpu.memory_space<vmem>>[vector<16xi32>, vector<16xi32>], vector<16xf32>,
      %mul3A_383 = arith.constant 16 : i32
      %mul3A_384 = arith.muli %scan3A_19, %mul3A_383 : i32
      %get3A_385 = arith.constant 40 : i32
      %get3A_386 = arith.index_cast %get3A_385 : i32 to index
      %get3A_387 = arith.index_cast %mul3A_384 : i32 to index
      %get3A_388 = tpu.vector_load %arg4[%get3A_386, %get3A_387] {strides = array<i32>} : memref<67x128xi32, #tpu.memory_space<vmem>>, vector<16xi32>,
      %add3A_389 = arith.constant 48 : i32
      %add3A_390 = vector.broadcast %add3A_389 : i32 to vector<16xi32>
      %add3A_391 = arith.addi %get3A_388, %add3A_390 : vector<16xi32>
      tpu.vector_store_idx %arg5[%add3A_391, %add3A_23], %broadcast_in_dim3A_10 {add = true} : memref<96x128xf32, #tpu.memory_space<vmem>>[vector<16xi32>, vector<16xi32>], vector<16xf32>,
      %mul3A_392 = arith.constant 16 : i32
      %mul3A_393 = arith.muli %scan3A_19, %mul3A_392 : i32
      %get3A_394 = arith.constant 41 : i32
      %get3A_395 = arith.index_cast %get3A_394 : i32 to index
      %get3A_396 = arith.index_cast %mul3A_393 : i32 to index
      %get3A_397 = tpu.vector_load %arg4[%get3A_395, %get3A_396] {strides = array<i32>} : memref<67x128xi32, #tpu.memory_space<vmem>>, vector<16xi32>,
      %add3A_398 = arith.constant 48 : i32
      %add3A_399 = vector.broadcast %add3A_398 : i32 to vector<16xi32>
      %add3A_400 = arith.addi %get3A_397, %add3A_399 : vector<16xi32>
      tpu.vector_store_idx %arg5[%add3A_400, %add3A_23], %broadcast_in_dim3A_10 {add = true} : memref<96x128xf32, #tpu.memory_space<vmem>>[vector<16xi32>, vector<16xi32>], vector<16xf32>,
      %mul3A_401 = arith.constant 16 : i32
      %mul3A_402 = arith.muli %scan3A_19, %mul3A_401 : i32
      %get3A_403 = arith.constant 42 : i32
      %get3A_404 = arith.index_cast %get3A_403 : i32 to index
      %get3A_405 = arith.index_cast %mul3A_402 : i32 to index
      %get3A_406 = tpu.vector_load %arg4[%get3A_404, %get3A_405] {strides = array<i32>} : memref<67x128xi32, #tpu.memory_space<vmem>>, vector<16xi32>,
      %add3A_407 = arith.constant 48 : i32
      %add3A_408 = vector.broadcast %add3A_407 : i32 to vector<16xi32>
      %add3A_409 = arith.addi %get3A_406, %add3A_408 : vector<16xi32>
      tpu.vector_store_idx %arg5[%add3A_409, %add3A_23], %broadcast_in_dim3A_10 {add = true} : memref<96x128xf32, #tpu.memory_space<vmem>>[vector<16xi32>, vector<16xi32>], vector<16xf32>,
      %mul3A_410 = arith.constant 16 : i32
      %mul3A_411 = arith.muli %scan3A_19, %mul3A_410 : i32
      %get3A_412 = arith.constant 43 : i32
      %get3A_413 = arith.index_cast %get3A_412 : i32 to index
      %get3A_414 = arith.index_cast %mul3A_411 : i32 to index
      %get3A_415 = tpu.vector_load %arg4[%get3A_413, %get3A_414] {strides = array<i32>} : memref<67x128xi32, #tpu.memory_space<vmem>>, vector<16xi32>,
      %add3A_416 = arith.constant 48 : i32
      %add3A_417 = vector.broadcast %add3A_416 : i32 to vector<16xi32>
      %add3A_418 = arith.addi %get3A_415, %add3A_417 : vector<16xi32>
      tpu.vector_store_idx %arg5[%add3A_418, %add3A_23], %broadcast_in_dim3A_10 {add = true} : memref<96x128xf32, #tpu.memory_space<vmem>>[vector<16xi32>, vector<16xi32>], vector<16xf32>,
      %mul3A_419 = arith.constant 16 : i32
      %mul3A_420 = arith.muli %scan3A_19, %mul3A_419 : i32
      %get3A_421 = arith.constant 44 : i32
      %get3A_422 = arith.index_cast %get3A_421 : i32 to index
      %get3A_423 = arith.index_cast %mul3A_420 : i32 to index
      %get3A_424 = tpu.vector_load %arg4[%get3A_422, %get3A_423] {strides = array<i32>} : memref<67x128xi32, #tpu.memory_space<vmem>>, vector<16xi32>,
      %add3A_425 = arith.constant 48 : i32
      %add3A_426 = vector.broadcast %add3A_425 : i32 to vector<16xi32>
      %add3A_427 = arith.addi %get3A_424, %add3A_426 : vector<16xi32>
      tpu.vector_store_idx %arg5[%add3A_427, %add3A_23], %broadcast_in_dim3A_10 {add = true} : memref<96x128xf32, #tpu.memory_space<vmem>>[vector<16xi32>, vector<16xi32>], vector<16xf32>,
      %mul3A_428 = arith.constant 16 : i32
      %mul3A_429 = arith.muli %scan3A_19, %mul3A_428 : i32
      %get3A_430 = arith.constant 45 : i32
      %get3A_431 = arith.index_cast %get3A_430 : i32 to index
      %get3A_432 = arith.index_cast %mul3A_429 : i32 to index
      %get3A_433 = tpu.vector_load %arg4[%get3A_431, %get3A_432] {strides = array<i32>} : memref<67x128xi32, #tpu.memory_space<vmem>>, vector<16xi32>,
      %add3A_434 = arith.constant 48 : i32
      %add3A_435 = vector.broadcast %add3A_434 : i32 to vector<16xi32>
      %add3A_436 = arith.addi %get3A_433, %add3A_435 : vector<16xi32>
      tpu.vector_store_idx %arg5[%add3A_436, %add3A_23], %broadcast_in_dim3A_10 {add = true} : memref<96x128xf32, #tpu.memory_space<vmem>>[vector<16xi32>, vector<16xi32>], vector<16xf32>,
      %mul3A_437 = arith.constant 16 : i32
      %mul3A_438 = arith.muli %scan3A_19, %mul3A_437 : i32
      %get3A_439 = arith.constant 46 : i32
      %get3A_440 = arith.index_cast %get3A_439 : i32 to index
      %get3A_441 = arith.index_cast %mul3A_438 : i32 to index
      %get3A_442 = tpu.vector_load %arg4[%get3A_440, %get3A_441] {strides = array<i32>} : memref<67x128xi32, #tpu.memory_space<vmem>>, vector<16xi32>,
      %add3A_443 = arith.constant 48 : i32
      %add3A_444 = vector.broadcast %add3A_443 : i32 to vector<16xi32>
      %add3A_445 = arith.addi %get3A_442, %add3A_444 : vector<16xi32>
      tpu.vector_store_idx %arg5[%add3A_445, %add3A_23], %broadcast_in_dim3A_10 {add = true} : memref<96x128xf32, #tpu.memory_space<vmem>>[vector<16xi32>, vector<16xi32>], vector<16xf32>,
      %mul3A_446 = arith.constant 16 : i32
      %mul3A_447 = arith.muli %scan3A_19, %mul3A_446 : i32
      %get3A_448 = arith.constant 47 : i32
      %get3A_449 = arith.index_cast %get3A_448 : i32 to index
      %get3A_450 = arith.index_cast %mul3A_447 : i32 to index
      %get3A_451 = tpu.vector_load %arg4[%get3A_449, %get3A_450] {strides = array<i32>} : memref<67x128xi32, #tpu.memory_space<vmem>>, vector<16xi32>,
      %add3A_452 = arith.constant 48 : i32
      %add3A_453 = vector.broadcast %add3A_452 : i32 to vector<16xi32>
      %add3A_454 = arith.addi %get3A_451, %add3A_453 : vector<16xi32>
      tpu.vector_store_idx %arg5[%add3A_454, %add3A_23], %broadcast_in_dim3A_10 {add = true} : memref<96x128xf32, #tpu.memory_space<vmem>>[vector<16xi32>, vector<16xi32>], vector<16xf32>,
      %mul3A_455 = arith.constant 16 : i32
      %mul3A_456 = arith.muli %scan3A_19, %mul3A_455 : i32
      %get3A_457 = arith.constant 48 : i32
      %get3A_458 = arith.index_cast %get3A_457 : i32 to index
      %get3A_459 = arith.index_cast %mul3A_456 : i32 to index
      %get3A_460 = tpu.vector_load %arg4[%get3A_458, %get3A_459] {strides = array<i32>} : memref<67x128xi32, #tpu.memory_space<vmem>>, vector<16xi32>,
      %add3A_461 = arith.constant 48 : i32
      %add3A_462 = vector.broadcast %add3A_461 : i32 to vector<16xi32>
      %add3A_463 = arith.addi %get3A_460, %add3A_462 : vector<16xi32>
      tpu.vector_store_idx %arg5[%add3A_463, %add3A_23], %broadcast_in_dim3A_10 {add = true} : memref<96x128xf32, #tpu.memory_space<vmem>>[vector<16xi32>, vector<16xi32>], vector<16xf32>,
      %mul3A_464 = arith.constant 16 : i32
      %mul3A_465 = arith.muli %scan3A_19, %mul3A_464 : i32
      %get3A_466 = arith.constant 49 : i32
      %get3A_467 = arith.index_cast %get3A_466 : i32 to index
      %get3A_468 = arith.index_cast %mul3A_465 : i32 to index
      %get3A_469 = tpu.vector_load %arg4[%get3A_467, %get3A_468] {strides = array<i32>} : memref<67x128xi32, #tpu.memory_space<vmem>>, vector<16xi32>,
      %add3A_470 = arith.constant 48 : i32
      %add3A_471 = vector.broadcast %add3A_470 : i32 to vector<16xi32>
      %add3A_472 = arith.addi %get3A_469, %add3A_471 : vector<16xi32>
      tpu.vector_store_idx %arg5[%add3A_472, %add3A_23], %broadcast_in_dim3A_10 {add = true} : memref<96x128xf32, #tpu.memory_space<vmem>>[vector<16xi32>, vector<16xi32>], vector<16xf32>,
      %mul3A_473 = arith.constant 16 : i32
      %mul3A_474 = arith.muli %scan3A_19, %mul3A_473 : i32
      %get3A_475 = arith.constant 50 : i32
      %get3A_476 = arith.index_cast %get3A_475 : i32 to index
      %get3A_477 = arith.index_cast %mul3A_474 : i32 to index
      %get3A_478 = tpu.vector_load %arg4[%get3A_476, %get3A_477] {strides = array<i32>} : memref<67x128xi32, #tpu.memory_space<vmem>>, vector<16xi32>,
      %add3A_479 = arith.constant 48 : i32
      %add3A_480 = vector.broadcast %add3A_479 : i32 to vector<16xi32>
      %add3A_481 = arith.addi %get3A_478, %add3A_480 : vector<16xi32>
      tpu.vector_store_idx %arg5[%add3A_481, %add3A_23], %broadcast_in_dim3A_10 {add = true} : memref<96x128xf32, #tpu.memory_space<vmem>>[vector<16xi32>, vector<16xi32>], vector<16xf32>,
      %mul3A_482 = arith.constant 16 : i32
      %mul3A_483 = arith.muli %scan3A_19, %mul3A_482 : i32
      %get3A_484 = arith.constant 51 : i32
      %get3A_485 = arith.index_cast %get3A_484 : i32 to index
      %get3A_486 = arith.index_cast %mul3A_483 : i32 to index
      %get3A_487 = tpu.vector_load %arg4[%get3A_485, %get3A_486] {strides = array<i32>} : memref<67x128xi32, #tpu.memory_space<vmem>>, vector<16xi32>,
      %add3A_488 = arith.constant 48 : i32
      %add3A_489 = vector.broadcast %add3A_488 : i32 to vector<16xi32>
      %add3A_490 = arith.addi %get3A_487, %add3A_489 : vector<16xi32>
      tpu.vector_store_idx %arg5[%add3A_490, %add3A_23], %broadcast_in_dim3A_10 {add = true} : memref<96x128xf32, #tpu.memory_space<vmem>>[vector<16xi32>, vector<16xi32>], vector<16xf32>,
      %mul3A_491 = arith.constant 16 : i32
      %mul3A_492 = arith.muli %scan3A_19, %mul3A_491 : i32
      %get3A_493 = arith.constant 52 : i32
      %get3A_494 = arith.index_cast %get3A_493 : i32 to index
      %get3A_495 = arith.index_cast %mul3A_492 : i32 to index
      %get3A_496 = tpu.vector_load %arg4[%get3A_494, %get3A_495] {strides = array<i32>} : memref<67x128xi32, #tpu.memory_space<vmem>>, vector<16xi32>,
      %add3A_497 = arith.constant 48 : i32
      %add3A_498 = vector.broadcast %add3A_497 : i32 to vector<16xi32>
      %add3A_499 = arith.addi %get3A_496, %add3A_498 : vector<16xi32>
      tpu.vector_store_idx %arg5[%add3A_499, %add3A_23], %broadcast_in_dim3A_10 {add = true} : memref<96x128xf32, #tpu.memory_space<vmem>>[vector<16xi32>, vector<16xi32>], vector<16xf32>,
      %mul3A_500 = arith.constant 16 : i32
      %mul3A_501 = arith.muli %scan3A_19, %mul3A_500 : i32
      %get3A_502 = arith.constant 53 : i32
      %get3A_503 = arith.index_cast %get3A_502 : i32 to index
      %get3A_504 = arith.index_cast %mul3A_501 : i32 to index
      %get3A_505 = tpu.vector_load %arg4[%get3A_503, %get3A_504] {strides = array<i32>} : memref<67x128xi32, #tpu.memory_space<vmem>>, vector<16xi32>,
      %add3A_506 = arith.constant 48 : i32
      %add3A_507 = vector.broadcast %add3A_506 : i32 to vector<16xi32>
      %add3A_508 = arith.addi %get3A_505, %add3A_507 : vector<16xi32>
      tpu.vector_store_idx %arg5[%add3A_508, %add3A_23], %broadcast_in_dim3A_10 {add = true} : memref<96x128xf32, #tpu.memory_space<vmem>>[vector<16xi32>, vector<16xi32>], vector<16xf32>,
      %mul3A_509 = arith.constant 16 : i32
      %mul3A_510 = arith.muli %scan3A_19, %mul3A_509 : i32
      %get3A_511 = arith.constant 54 : i32
      %get3A_512 = arith.index_cast %get3A_511 : i32 to index
      %get3A_513 = arith.index_cast %mul3A_510 : i32 to index
      %get3A_514 = tpu.vector_load %arg4[%get3A_512, %get3A_513] {strides = array<i32>} : memref<67x128xi32, #tpu.memory_space<vmem>>, vector<16xi32>,
      %add3A_515 = arith.constant 48 : i32
      %add3A_516 = vector.broadcast %add3A_515 : i32 to vector<16xi32>
      %add3A_517 = arith.addi %get3A_514, %add3A_516 : vector<16xi32>
      tpu.vector_store_idx %arg5[%add3A_517, %add3A_23], %broadcast_in_dim3A_10 {add = true} : memref<96x128xf32, #tpu.memory_space<vmem>>[vector<16xi32>, vector<16xi32>], vector<16xf32>,
      %mul3A_518 = arith.constant 16 : i32
      %mul3A_519 = arith.muli %scan3A_19, %mul3A_518 : i32
      %get3A_520 = arith.constant 55 : i32
      %get3A_521 = arith.index_cast %get3A_520 : i32 to index
      %get3A_522 = arith.index_cast %mul3A_519 : i32 to index
      %get3A_523 = tpu.vector_load %arg4[%get3A_521, %get3A_522] {strides = array<i32>} : memref<67x128xi32, #tpu.memory_space<vmem>>, vector<16xi32>,
      %add3A_524 = arith.constant 48 : i32
      %add3A_525 = vector.broadcast %add3A_524 : i32 to vector<16xi32>
      %add3A_526 = arith.addi %get3A_523, %add3A_525 : vector<16xi32>
      tpu.vector_store_idx %arg5[%add3A_526, %add3A_23], %broadcast_in_dim3A_10 {add = true} : memref<96x128xf32, #tpu.memory_space<vmem>>[vector<16xi32>, vector<16xi32>], vector<16xf32>,
      %mul3A_527 = arith.constant 16 : i32
      %mul3A_528 = arith.muli %scan3A_19, %mul3A_527 : i32
      %get3A_529 = arith.constant 56 : i32
      %get3A_530 = arith.index_cast %get3A_529 : i32 to index
      %get3A_531 = arith.index_cast %mul3A_528 : i32 to index
      %get3A_532 = tpu.vector_load %arg4[%get3A_530, %get3A_531] {strides = array<i32>} : memref<67x128xi32, #tpu.memory_space<vmem>>, vector<16xi32>,
      %add3A_533 = arith.constant 72 : i32
      %add3A_534 = vector.broadcast %add3A_533 : i32 to vector<16xi32>
      %add3A_535 = arith.addi %get3A_532, %add3A_534 : vector<16xi32>
      tpu.vector_store_idx %arg5[%add3A_535, %add3A_23], %broadcast_in_dim3A_10 {add = true} : memref<96x128xf32, #tpu.memory_space<vmem>>[vector<16xi32>, vector<16xi32>], vector<16xf32>,
      %mul3A_536 = arith.constant 16 : i32
      %mul3A_537 = arith.muli %scan3A_19, %mul3A_536 : i32
      %get3A_538 = arith.constant 57 : i32
      %get3A_539 = arith.index_cast %get3A_538 : i32 to index
      %get3A_540 = arith.index_cast %mul3A_537 : i32 to index
      %get3A_541 = tpu.vector_load %arg4[%get3A_539, %get3A_540] {strides = array<i32>} : memref<67x128xi32, #tpu.memory_space<vmem>>, vector<16xi32>,
      %add3A_542 = arith.constant 72 : i32
      %add3A_543 = vector.broadcast %add3A_542 : i32 to vector<16xi32>
      %add3A_544 = arith.addi %get3A_541, %add3A_543 : vector<16xi32>
      tpu.vector_store_idx %arg5[%add3A_544, %add3A_23], %broadcast_in_dim3A_10 {add = true} : memref<96x128xf32, #tpu.memory_space<vmem>>[vector<16xi32>, vector<16xi32>], vector<16xf32>,
      %mul3A_545 = arith.constant 16 : i32
      %mul3A_546 = arith.muli %scan3A_19, %mul3A_545 : i32
      %get3A_547 = arith.constant 58 : i32
      %get3A_548 = arith.index_cast %get3A_547 : i32 to index
      %get3A_549 = arith.index_cast %mul3A_546 : i32 to index
      %get3A_550 = tpu.vector_load %arg4[%get3A_548, %get3A_549] {strides = array<i32>} : memref<67x128xi32, #tpu.memory_space<vmem>>, vector<16xi32>,
      %add3A_551 = arith.constant 72 : i32
      %add3A_552 = vector.broadcast %add3A_551 : i32 to vector<16xi32>
      %add3A_553 = arith.addi %get3A_550, %add3A_552 : vector<16xi32>
      tpu.vector_store_idx %arg5[%add3A_553, %add3A_23], %broadcast_in_dim3A_10 {add = true} : memref<96x128xf32, #tpu.memory_space<vmem>>[vector<16xi32>, vector<16xi32>], vector<16xf32>,
      %mul3A_554 = arith.constant 16 : i32
      %mul3A_555 = arith.muli %scan3A_19, %mul3A_554 : i32
      %get3A_556 = arith.constant 59 : i32
      %get3A_557 = arith.index_cast %get3A_556 : i32 to index
      %get3A_558 = arith.index_cast %mul3A_555 : i32 to index
      %get3A_559 = tpu.vector_load %arg4[%get3A_557, %get3A_558] {strides = array<i32>} : memref<67x128xi32, #tpu.memory_space<vmem>>, vector<16xi32>,
      %add3A_560 = arith.constant 72 : i32
      %add3A_561 = vector.broadcast %add3A_560 : i32 to vector<16xi32>
      %add3A_562 = arith.addi %get3A_559, %add3A_561 : vector<16xi32>
      tpu.vector_store_idx %arg5[%add3A_562, %add3A_23], %broadcast_in_dim3A_10 {add = true} : memref<96x128xf32, #tpu.memory_space<vmem>>[vector<16xi32>, vector<16xi32>], vector<16xf32>,
      %mul3A_563 = arith.constant 16 : i32
      %mul3A_564 = arith.muli %scan3A_19, %mul3A_563 : i32
      %get3A_565 = arith.constant 60 : i32
      %get3A_566 = arith.index_cast %get3A_565 : i32 to index
      %get3A_567 = arith.index_cast %mul3A_564 : i32 to index
      %get3A_568 = tpu.vector_load %arg4[%get3A_566, %get3A_567] {strides = array<i32>} : memref<67x128xi32, #tpu.memory_space<vmem>>, vector<16xi32>,
      %add3A_569 = arith.constant 72 : i32
      %add3A_570 = vector.broadcast %add3A_569 : i32 to vector<16xi32>
      %add3A_571 = arith.addi %get3A_568, %add3A_570 : vector<16xi32>
      tpu.vector_store_idx %arg5[%add3A_571, %add3A_23], %broadcast_in_dim3A_10 {add = true} : memref<96x128xf32, #tpu.memory_space<vmem>>[vector<16xi32>, vector<16xi32>], vector<16xf32>,
      %mul3A_572 = arith.constant 16 : i32
      %mul3A_573 = arith.muli %scan3A_19, %mul3A_572 : i32
      %get3A_574 = arith.constant 61 : i32
      %get3A_575 = arith.index_cast %get3A_574 : i32 to index
      %get3A_576 = arith.index_cast %mul3A_573 : i32 to index
      %get3A_577 = tpu.vector_load %arg4[%get3A_575, %get3A_576] {strides = array<i32>} : memref<67x128xi32, #tpu.memory_space<vmem>>, vector<16xi32>,
      %add3A_578 = arith.constant 72 : i32
      %add3A_579 = vector.broadcast %add3A_578 : i32 to vector<16xi32>
      %add3A_580 = arith.addi %get3A_577, %add3A_579 : vector<16xi32>
      tpu.vector_store_idx %arg5[%add3A_580, %add3A_23], %broadcast_in_dim3A_10 {add = true} : memref<96x128xf32, #tpu.memory_space<vmem>>[vector<16xi32>, vector<16xi32>], vector<16xf32>,
      %mul3A_581 = arith.constant 16 : i32
      %mul3A_582 = arith.muli %scan3A_19, %mul3A_581 : i32
      %get3A_583 = arith.constant 62 : i32
      %get3A_584 = arith.index_cast %get3A_583 : i32 to index
      %get3A_585 = arith.index_cast %mul3A_582 : i32 to index
      %get3A_586 = tpu.vector_load %arg4[%get3A_584, %get3A_585] {strides = array<i32>} : memref<67x128xi32, #tpu.memory_space<vmem>>, vector<16xi32>,
      %add3A_587 = arith.constant 72 : i32
      %add3A_588 = vector.broadcast %add3A_587 : i32 to vector<16xi32>
      %add3A_589 = arith.addi %get3A_586, %add3A_588 : vector<16xi32>
      tpu.vector_store_idx %arg5[%add3A_589, %add3A_23], %broadcast_in_dim3A_10 {add = true} : memref<96x128xf32, #tpu.memory_space<vmem>>[vector<16xi32>, vector<16xi32>], vector<16xf32>,
      %mul3A_590 = arith.constant 16 : i32
      %mul3A_591 = arith.muli %scan3A_19, %mul3A_590 : i32
      %get3A_592 = arith.constant 63 : i32
      %get3A_593 = arith.index_cast %get3A_592 : i32 to index
      %get3A_594 = arith.index_cast %mul3A_591 : i32 to index
      %get3A_595 = tpu.vector_load %arg4[%get3A_593, %get3A_594] {strides = array<i32>} : memref<67x128xi32, #tpu.memory_space<vmem>>, vector<16xi32>,
      %add3A_596 = arith.constant 72 : i32
      %add3A_597 = vector.broadcast %add3A_596 : i32 to vector<16xi32>
      %add3A_598 = arith.addi %get3A_595, %add3A_597 : vector<16xi32>
      tpu.vector_store_idx %arg5[%add3A_598, %add3A_23], %broadcast_in_dim3A_10 {add = true} : memref<96x128xf32, #tpu.memory_space<vmem>>[vector<16xi32>, vector<16xi32>], vector<16xf32>,
      %mul3A_599 = arith.constant 16 : i32
      %mul3A_600 = arith.muli %scan3A_19, %mul3A_599 : i32
      %get3A_601 = arith.constant 64 : i32
      %get3A_602 = arith.index_cast %get3A_601 : i32 to index
      %get3A_603 = arith.index_cast %mul3A_600 : i32 to index
      %get3A_604 = tpu.vector_load %arg4[%get3A_602, %get3A_603] {strides = array<i32>} : memref<67x128xi32, #tpu.memory_space<vmem>>, vector<16xi32>,
      %add3A_605 = arith.constant 72 : i32
      %add3A_606 = vector.broadcast %add3A_605 : i32 to vector<16xi32>
      %add3A_607 = arith.addi %get3A_604, %add3A_606 : vector<16xi32>
      tpu.vector_store_idx %arg5[%add3A_607, %add3A_23], %broadcast_in_dim3A_10 {add = true} : memref<96x128xf32, #tpu.memory_space<vmem>>[vector<16xi32>, vector<16xi32>], vector<16xf32>,
      %mul3A_608 = arith.constant 16 : i32
      %mul3A_609 = arith.muli %scan3A_19, %mul3A_608 : i32
      %get3A_610 = arith.constant 65 : i32
      %get3A_611 = arith.index_cast %get3A_610 : i32 to index
      %get3A_612 = arith.index_cast %mul3A_609 : i32 to index
      %get3A_613 = tpu.vector_load %arg4[%get3A_611, %get3A_612] {strides = array<i32>} : memref<67x128xi32, #tpu.memory_space<vmem>>, vector<16xi32>,
      %add3A_614 = arith.constant 72 : i32
      %add3A_615 = vector.broadcast %add3A_614 : i32 to vector<16xi32>
      %add3A_616 = arith.addi %get3A_613, %add3A_615 : vector<16xi32>
      tpu.vector_store_idx %arg5[%add3A_616, %add3A_23], %broadcast_in_dim3A_10 {add = true} : memref<96x128xf32, #tpu.memory_space<vmem>>[vector<16xi32>, vector<16xi32>], vector<16xf32>,
      %mul3A_617 = arith.constant 16 : i32
      %mul3A_618 = arith.muli %scan3A_19, %mul3A_617 : i32
      %get3A_619 = arith.constant 66 : i32
      %get3A_620 = arith.index_cast %get3A_619 : i32 to index
      %get3A_621 = arith.index_cast %mul3A_618 : i32 to index
      %get3A_622 = tpu.vector_load %arg4[%get3A_620, %get3A_621] {strides = array<i32>} : memref<67x128xi32, #tpu.memory_space<vmem>>, vector<16xi32>,
      %add3A_623 = arith.constant 72 : i32
      %add3A_624 = vector.broadcast %add3A_623 : i32 to vector<16xi32>
      %add3A_625 = arith.addi %get3A_622, %add3A_624 : vector<16xi32>
      tpu.vector_store_idx %arg5[%add3A_625, %add3A_23], %broadcast_in_dim3A_10 {add = true} : memref<96x128xf32, #tpu.memory_space<vmem>>[vector<16xi32>, vector<16xi32>], vector<16xf32>,
    }
    %scan3A_16 = arith.constant 8 : i32
    %mul3A_17 = arith.constant 128 : i32
    %mul3A_18 = arith.muli %add3A, %mul3A_17 : i32
    "tpu.region"() ({
      %run_scoped3A = tpu.sem_alloc : memref<!tpu.dma_semaphore, #tpu.memory_space<semaphore_mem>>
      %dma_start3A = arith.constant 0 : i32
      %dma_start3A_19 = tpu.memref_slice %arg3[%dma_start3A, %mul3A_18] : memref<96x4096xf32, #tpu.memory_space<hbm>> -> memref<96x128xf32, #tpu.memory_space<hbm>>
      %dma_start3A_20 = arith.constant 0 : i32
      %dma_start3A_21 = tpu.memref_slice %arg3[%dma_start3A_20, %mul3A_18] : memref<96x4096xf32, #tpu.memory_space<hbm>> -> memref<96x128xf32, #tpu.memory_space<hbm>>
      tpu.enqueue_dma source(%arg5 : memref<96x128xf32, #tpu.memory_space<vmem>>) target(%dma_start3A_21 : memref<96x128xf32, #tpu.memory_space<hbm>>) target_semaphore(%run_scoped3A : memref<!tpu.dma_semaphore, #tpu.memory_space<semaphore_mem>>)
      %dma_wait3A = arith.constant 0 : i32
      %dma_wait3A_22 = tpu.memref_slice %arg3[%dma_wait3A, %mul3A_18] : memref<96x4096xf32, #tpu.memory_space<hbm>> -> memref<96x128xf32, #tpu.memory_space<hbm>>
      %dma_wait3A_23 = arith.constant 0 : i32
      %dma_wait3A_24 = tpu.memref_slice %arg3[%dma_wait3A_23, %mul3A_18] : memref<96x4096xf32, #tpu.memory_space<hbm>> -> memref<96x128xf32, #tpu.memory_space<hbm>>
      tpu.wait_dma2 semaphore(%run_scoped3A : memref<!tpu.dma_semaphore, #tpu.memory_space<semaphore_mem>>) src(%arg5 : memref<96x128xf32, #tpu.memory_space<vmem>>) dst(%dma_wait3A_24 : memref<96x128xf32, #tpu.memory_space<hbm>>)
      tpu.yield
    }) : () -> ()
    return
  }
}

</mosaic_0001>

<sc_bundles>
// kernel: _sc_counts.3.cloned.1.call-start
scs
__scs_entry_jumppad:
0x0: {  	(pc) =	sbr.rel $0x88, $3  }
0x1: {  	(tag) =	ssettag $0x0;
	lr =	simm.s32 $0x1  }
0x2: {  	[smem:$0x3FA0] =	sst lr;
	_ =	strace $0xD0000000  }
0x3: {  	_ = 	snop  }
0x4: {  	_ = 	snop  }
0x5: {  	_ = 	snop  }
0x6: {  	_ = 	snop  }
0x7: {  	_ = 	snop  }
__scs_overlays_trampoline_lowered:
0x8: {  	[smem:$0x3FAF] =	sst s0  }
0x9: {  	[smem:$0x3FB0] =	sst s1  }
0xa: {  	[smem:$0x3FB1] =	sst s2  }
0xb: {  	[smem:$0x3FB2] =	sst s3  }
0xc: {  	[smem:$0x3FB3] =	sst s4  }
0xd: {  	[smem:$0x3FB4] =	sst s5  }
0xe: {  	[smem:$0x3FB5] =	sst s6  }
0xf: {  	[smem:$0x3FB6] =	sst s7  }
0x10: {  	[smem:$0x3FB7] =	sst s8  }
0x11: {  	[smem:$0x3FB8] =	sst s9;
	s0 =	simm.s32 @!p0 $0x0  }
0x12: {  	s1 =	sld [smem:$0x3F9E];
	s0 =	simm.s32 @p0 $0x1  }
0x13: {  	[smem:$0x3FB9] =	sst s0;
	s0 =	simm.s32 @!p1 $0x0  }
0x14: {  	s2 =	sld [smem:$0x3F9D];
	s0 =	simm.s32 @p1 $0x1  }
0x15: {  	[smem:$0x3FBA] =	sst s0;
	s0 =	simm.s32 @!p2 $0x0  }
0x16: {  	s3 =	sld [smem:$0x3FDB];
	s0 =	simm.s32 @p2 $0x1  }
0x17: {  	s4 =	simm.s32 $0x1BF5;
	[smem:$0x3FBC] =	sst s0  }
0x18: {  	s0 =	sld [smem:$0x3F9F];
	_ =	swait.ge [sflag:s4], $0x0  }
0x19: {  	s7 =	sld [smem:$0x3FA0]  }
0x1a: {  	s8 =	sadd.s32 $0xFFFFE003, lr  }
0x1b: {  	s9 =	sadd.s32 $0xFFFFFEF7, lr;
	s5 =	simm.s32 $0xFFFFFFFF;
	p2 =	slt.u32 s8, $0xFFFFF086  }
0x1c: {  	p1 =	slt.u32 s9, $0xF7A;
	s5 =	simm.s32 @!p2 $0x0  }
0x1d: {  	s5 =	simm.s32 @p1 $0x1;
	p0 =	seq.s32 s7, s2  }
0x1e: {  	s7 =	smul.u32 @!p0 $0xF7A, s2;
	p2 =	seq.s32 @!p0 s5, $0x0  }
0x1f: {  	s9 =	smul.u32 $0xF7A, s1;
	s8 =	simm.s32 @!p0 $0x1BF5;
	p2 =	por !p2, p0  }
0x20: {  	[sflag:s8] =	ssyncset.s32 @!p0 $0xFFFFF086;
	s6 =	sadd.s32 @!p0 s3, s7;
	s7 =	simm.s32 @!p0 $0x108  }
0x21: {  	s3 =	sadd.s32 s3, s9;
	s6 =	sadd.s32 @!p0 $0x88, s6;
	s7 =	simm.s32 @p2 $0x1082  }
0x22: {  	[simem:s7], [sflag:s8] =	dma.local @!p0 [hbm:s6], $0xF7A  }
0x23: {  	s9 =	sor.u32 $0xD0000000, s2;
	s6 =	simm.s32 $0x108;
	_ =	swait.ge @!p0 [sflag:s8], $0x0  }
0x24: {  	s3 =	sadd.s32 $0x88, s3;
	s6 =	simm.s32 @!p1 $0x1082;
	[sflag:s4] =	ssyncset.s32 $0xFFFFF086  }
0x25: {  	[simem:s6], [sflag:s4] =	dma.local [hbm:s3], $0xF7A  }
0x26: {  	[smem:$0x3FA0] =	sst s1;
	(tag) =	ssettag s2;
	_ =	strace s9  }
0x27: {  	s1 =	sld [smem:$0x3FB0]  }
0x28: {  	s2 =	sld [smem:$0x3FB1]  }
0x29: {  	s4 =	sld [smem:$0x3FB3]  }
0x2a: {  	p0 =	seq.s32 s5, $0x0;
	s5 =	sld [smem:$0x3FB4]  }
0x2b: {  	s6 =	sld [smem:$0x3FB5]  }
0x2c: {  	s7 =	sld [smem:$0x3FB6]  }
0x2d: {  	s3 =	simm.s32 $0x108;
	s8 =	sld [smem:$0x3FB7]  }
0x2e: {  	s3 =	simm.s32 @!p0 $0x1082;
	s9 =	sld [smem:$0x3FB8]  }
0x2f: {  	lr =	sadd.s32 s0, s3;
	s0 =	sld [smem:$0x3FAF]  }
0x30: {  	s3 =	sld [smem:$0x3FB2]  }
0x31: {  	[smem:$0x3FBB] =	sst s10  }
0x32: {  	s10 =	sld [smem:$0x3FB9];
	_ =	sdelay $0x3  }
0x33: {  	p0 =	seq.s32 s10, $0x1;
	s10 =	sld [smem:$0x3FBB];
	_ =	sdelay $0x3  }
0x34: {  	[smem:$0x3FBB] =	sst s10  }
0x35: {  	s10 =	sld [smem:$0x3FBA];
	_ =	sdelay $0x3  }
0x36: {  	p1 =	seq.s32 s10, $0x1;
	s10 =	sld [smem:$0x3FBB];
	_ =	sdelay $0x3  }
0x37: {  	[smem:$0x3FBB] =	sst s10  }
0x38: {  	s10 =	sld [smem:$0x3FBC]  }
0x39: {  	_ = 	snop;
	(pc) =	sbr.ind lr, $3  }
0x3a: {  	_ = 	snop  }
0x3b: {  	_ = 	snop  }
0x3c: {  	p2 =	seq.s32 s10, $0x1;
	s10 =	sld [smem:$0x3FBB]  }
0x3d: {  	_ =	shalt  }
0x3e: {  	_ =	shalt  }
0x3f: {  	_ =	shalt  }
0x40: {  	_ =	shalt  }
0x41: {  	_ =	shalt  }
0x42: {  	_ =	shalt  }
0x43: {  	_ =	shalt  }
0x44: {  	_ =	shalt  }
0x45: {  	_ =	shalt  }
0x46: {  	_ =	shalt  }
0x47: {  	_ =	shalt  }
0x48: {  	_ =	shalt  }
0x49: {  	_ =	shalt  }
0x4a: {  	_ =	shalt  }
0x4b: {  	_ =	shalt  }
0x4c: {  	_ =	shalt  }
0x4d: {  	_ =	shalt  }
0x4e: {  	_ =	shalt  }
0x4f: {  	_ =	shalt  }
0x50: {  	_ =	shalt  }
0x51: {  	_ =	shalt  }
0x52: {  	_ =	shalt  }
0x53: {  	_ =	shalt  }
0x54: {  	_ =	shalt  }
0x55: {  	_ =	shalt  }
0x56: {  	_ =	shalt  }
0x57: {  	_ =	shalt  }
0x58: {  	_ =	shalt  }
0x59: {  	_ =	shalt  }
0x5a: {  	_ =	shalt  }
0x5b: {  	_ =	shalt  }
0x5c: {  	_ =	shalt  }
0x5d: {  	_ =	shalt  }
0x5e: {  	_ =	shalt  }
0x5f: {  	_ =	shalt  }
0x60: {  	_ =	shalt  }
0x61: {  	_ =	shalt  }
0x62: {  	_ =	shalt  }
0x63: {  	_ =	shalt  }
0x64: {  	_ =	shalt  }
0x65: {  	_ =	shalt  }
0x66: {  	_ =	shalt  }
0x67: {  	_ =	shalt  }
0x68: {  	_ =	shalt  }
0x69: {  	_ =	shalt  }
0x6a: {  	_ =	shalt  }
0x6b: {  	_ =	shalt  }
0x6c: {  	_ =	shalt  }
0x6d: {  	_ =	shalt  }
0x6e: {  	_ =	shalt  }
0x6f: {  	_ =	shalt  }
0x70: {  	_ =	shalt  }
0x71: {  	_ =	shalt  }
0x72: {  	_ =	shalt  }
0x73: {  	_ =	shalt  }
0x74: {  	_ =	shalt  }
0x75: {  	_ =	shalt  }
0x76: {  	_ =	shalt  }
0x77: {  	_ =	shalt  }
0x78: {  	_ =	shalt  }
0x79: {  	_ =	shalt  }
0x7a: {  	_ =	shalt  }
0x7b: {  	_ =	shalt  }
0x7c: {  	_ =	shalt  }
0x7d: {  	_ =	shalt  }
0x7e: {  	_ =	shalt  }
0x7f: {  	_ =	shalt  }
0x80: {  	_ =	shalt  }
0x81: {  	_ =	shalt  }
0x82: {  	_ =	shalt  }
0x83: {  	_ =	shalt  }
0x84: {  	_ =	shalt  }
0x85: {  	_ =	shalt  }
0x86: {  	_ =	shalt  }
0x87: {  	_ =	shalt  }
.Lfunc_end0:
.L_simem_size_0:
called_computation_lowered:
.L_overlay_start_0:
0x88: {  	s2 =	sld [smem:$0x3FD9]  }
0x89: {  	s3 =	sld [smem:$0x3FFE];
	_ =	sdelay $0x1  }
0x8a: {  	s1 =	srdreg.scid  }
0x8b: {  	s0 =	sand.u32 $0x1, s1  }
0x8c: {  	s18 =	sshll.u32 s0, $0xA;
	s2 =	sadd.s32 s3, s2  }
0x8d: {  	s2 =	sadd.s32 s2, s18  }
0x8e: {  	[smem:$0x3FC7] =	sst s2  }
0x8f: {  	_ = 	snop  }
0x90: {  	s2 =	sld [smem:$0x3FC9]  }
0x91: {  	s19 =	sld [smem:$0x3FD0];
	(tm) =	ssettm $0x1  }
0x92: {  	s4 =	sld [smem:$0x3FFB];
	_ =	sdelay $0x3  }
0x93: {  	_ =	strace s4  }
0x94: {  	s4 =	sld [smem:$0x3FFC];
	_ =	sdelay $0x3  }
0x95: {  	_ =	strace s4  }
0x96: {  	s4 =	sld [smem:$0x3FFD];
	_ =	sdelay $0x3  }
0x97: {  	_ =	strace s4  }
0x98: {  	_ =	strace $0x8FFFFFFF  }
0x99: {  	s20 =	sld [smem:$0x3FDB];
	_ =	sdelay $0x1  }
0x9a: {  	s5 =	simm.s32 $_scs_section_size  }
0x9b: {  	s6 =	simm.s32 $_size__tile_overlayer_lowered;
	s7 =	simm.s32 $_tile_overlayer_lowered  }
0x9c: {  	s23 =	simm.s32 $0x1BFF;
	s22 =	sshll.u32 s7, $0x1;
	s4 =	sadd.s32 s5, s20  }
0x9d: {  	s8 =	simm.s32 $0x0;
	s21 =	sshll.u32 s6, $0x1;
	s6 =	sadd.s32 s22, s4  }
0x9e: {  	[timem:s8], [sflag:s23] =	dma.local [hbm:s6], s21  }
0x9f: {  	_ =	swait.ge [sflag:s23], s21  }
0xa0: {  	s5 =	ssub.s32 $0x0, s21;
	[sflag:s23] =	ssyncset.done $0x0  }
0xa1: {  	[sflag:s23] =	ssyncadd.s32 s5;
	_ =	sdelay $0x1  }
0xa2: {  	s24 =	simm.s32 $0x1B8B  }
0xa3: {  	_ =	swait.ge [sflag:s24], $0x1  }
0xa4: {  	[sflag:s24] =	ssyncset.done $0x0  }
0xa5: {  	s25 =	simm.s32 $0x1B8E;
	[sflag:s24] =	ssyncadd.s32 $0xFFFFFFFF  }
0xa6: {  	s26 =	simm.s32 $execute0_lowered;
	[smem:$0x3FD2] =	sst s25  }
0xa7: {  	s5 =	sshll.u32 s26, $0x1;
	_ =	strace $0x80000046;
	[dreg:$0x1] =	wrdreg $0xFFFFFFFF  }
0xa8: {  	s28 =	simm.s32 $_size_execute0_lowered;
	s4 =	sadd.s32 s4, s5;
	[dreg:$0x0] =	wrdreg $0x0  }
0xa9: {  	s5 =	sshll.u32 s28, $0x1;
	[dreg:$0x2] =	wrdreg s4  }
0xaa: {  	[dreg:$0x3] =	wrdreg s5  }
0xab: {  	[dreg:$0x4] =	wrdreg $0xC0  }
0xac: {  	_ =	task [dreg:s8], $0x5FFFF  }
0xad: {  	[dreg:$0x1] =	wrdreg $0xFFFFFFFF  }
0xae: {  	[dreg:$0x0] =	wrdreg $0x60  }
0xaf: {  	[dreg:$0x2] =	wrdreg s2  }
0xb0: {  	[dreg:$0x3] =	wrdreg s19  }
0xb1: {  	[dreg:$0x4] =	wrdreg $0x9  }
0xb2: {  	_ =	task.clear_ibuf [dreg:s8], $0x5FFFF;
	_ =	strace $0x90000046  }
0xb3: {  	s29 =	simm.s32 $0x9;
	_ =	strace $0x80000048  }
0xb4: {  	_ =	swait.ge [sflag:s29], $0x1  }
0xb5: {  	[sflag:s29] =	ssyncadd.s32 $0xFFFFFFFF  }
0xb6: {  	_ =	strace $0x90000048  }
0xb7: {  	_ =	sfence  }
0xb8: {  	s30 =	sld [smem:$0x0];
	_ =	sdelay $0x2  }
0xb9: {  	s31 =	sshll.u32 s1, $0xD;
	s1 =	sshrl.u32 s1, $0x2  }
0xba: {  	s3 =	sand.u32 $0x4000, s31;
	s1 =	sadd.s32 s1, s30  }
0xbb: {  	s0 =	sor.u32 s3, s0;
	s1 =	sshll.u32 s1, $0x11  }
0xbc: {  	s0 =	sor.u32 s1, s0  }
0xbd: {  	s0 =	sadd.s32 $0x8F2B, s0  }
0xbe: {  	[sflag:s0] =	ssyncadd.remote.s32 $0x1  }
0xbf: {  	_ =	sfence.sel $0xFFFF  }
0xc0: {  	[dreg:$0x0] =	wrdreg $0xFFFFFFFF;
	(pc) =	sbr.abs _section_cstart, $3  }
0xc1: {  	[dreg:$0x1] =	wrdreg $0xFFFFFFFF  }
0xc2: {  	_ =	task.clear_ibuf [dreg:s8], $0x2FFFF;
	_ =	strace $0x9FFFFFFF  }
0xc3: {  	(tm) =	ssettm $0x7FFFFFFF  }
tec
execute0_lowered:
.L_overlay_start_1:
0x0: {  	(tag) =	ssettag $0x1  }
0x1: {  	s3 =	rddreg [dreg:$0x0];
	s0 =	srdreg.scid  }
0x2: {  	s5 =	rddreg [dreg:$0x1];
	s1 =	stileid.u32;
	s2 =	simm.s32 $0x0  }
0x3: {  	s8 =	simm.s32 $0x20000;
	s9 =	simm.s32 $0x2000;
	s10 =	simm.s32 $0x1  }
0x4: {  	s11 =	simm.s32 $0x2400;
	s12 =	simm.s32 $0x8000;
	s13 =	simm.s32 $0x0  }
0x5: {  	s4 =	sand.u32 $0x1, s0;
	s0 =	rddreg [dreg:$0x2];
	s7 =	sshll.u32 s1, $0x7  }
0x6: {  	[smem:$0x7FF] =	sst s2;
	s6 =	sshll.u32 s4, $0xB;
	s4 =	ssub.s32 $0x2, s4  }
0x7: {  	_ =	strace $0x80000047;
	s6 =	sor.u32 s7, s6;
	s31 =	sshrl.u32 s4, $0x1  }
0x8: {  	s3 =	sadd.s32 s3, s6;
	s7 =	ssub.s32 s4, s31;
	s5 =	sadd.s32 s5, s6  }
0x9: {  	v0 =	vimm.f32 $0.0e+00;
	v1 =	vlaneseq.u32;
	v2 =	vimm.f32 $1.000000000e+00;
	s4 =	sadd.s32 $0x20000, s3;
	s6 =	smax.u32 s7, $0x1;
	s7 =	simm.s32 $0x400  }
.LBB2_1:
0xa: {  	[tilespmem:s2], [sflag:$0x1] =	stream.strided.gather [hbm4b:s3+s7], $0x2000, s8, s7, $0x38;
	[tilespmem:$0x5400] =	vst v63  }
0xb: {  	_ = 	snop  }
0xc: {  	[tilespmem:s9], [sflag:$0x1] =	stream.linear.gather [hbm4b:s4+s2], $0x180, $0x38;
	[tilespmem:$0x5400] =	vst v63  }
0xd: {  	_ =	swait.ge [sflag:s10], $0x2180  }
0xe: {  	[sflag:s10] =	ssyncset.done $0x0  }
0xf: {  	s14 =	simm.s32 $0xFFFFFF80;
	s15 =	simm.s32 $0xFFFFFE40;
	[sflag:s10] =	ssyncadd.s32 $0xFFFFDE80  }
.LBB2_2:
0x10: {  	p0 =	sne.s32 s15, $0xFFFFFFC0;
	[tilespmem:s14+$0x5400] =	vst v0  }
0x11: {  	[tilespmem:s14+$0x2480] =	vst v0  }
0x12: {  	[tilespmem:s14+$0x2500] =	vst v0  }
0x13: {  	[tilespmem:s14+$0x2580] =	vst v0  }
0x14: {  	[tilespmem:s14+$0x2600] =	vst v0  }
0x15: {  	[tilespmem:s14+$0x2680] =	vst v0  }
0x16: {  	[tilespmem:s14+$0x2700] =	vst v0  }
0x17: {  	[tilespmem:s14+$0x2780] =	vst v0  }
0x18: {  	[tilespmem:s14+$0x2800] =	vst v0  }
0x19: {  	[tilespmem:s14+$0x2880] =	vst v0  }
0x1a: {  	[tilespmem:s14+$0x2900] =	vst v0  }
0x1b: {  	[tilespmem:s14+$0x2980] =	vst v0  }
0x1c: {  	[tilespmem:s14+$0x2A00] =	vst v0  }
0x1d: {  	[tilespmem:s14+$0x2A80] =	vst v0  }
0x1e: {  	[tilespmem:s14+$0x2B00] =	vst v0  }
0x1f: {  	[tilespmem:s14+$0x2B80] =	vst v0  }
0x20: {  	[tilespmem:s14+$0x2C00] =	vst v0  }
0x21: {  	[tilespmem:s14+$0x2C80] =	vst v0  }
0x22: {  	[tilespmem:s14+$0x2D00] =	vst v0  }
0x23: {  	[tilespmem:s14+$0x2D80] =	vst v0  }
0x24: {  	[tilespmem:s14+$0x2E00] =	vst v0  }
0x25: {  	[tilespmem:s14+$0x2E80] =	vst v0  }
0x26: {  	[tilespmem:s14+$0x2F00] =	vst v0  }
0x27: {  	[tilespmem:s14+$0x2F80] =	vst v0  }
0x28: {  	[tilespmem:s14+$0x3000] =	vst v0  }
0x29: {  	[tilespmem:s14+$0x3080] =	vst v0  }
0x2a: {  	[tilespmem:s14+$0x3100] =	vst v0  }
0x2b: {  	[tilespmem:s14+$0x3180] =	vst v0  }
0x2c: {  	[tilespmem:s14+$0x3200] =	vst v0  }
0x2d: {  	[tilespmem:s14+$0x3280] =	vst v0  }
0x2e: {  	[tilespmem:s14+$0x3300] =	vst v0  }
0x2f: {  	[tilespmem:s14+$0x3380] =	vst v0  }
0x30: {  	[tilespmem:s14+$0x3400] =	vst v0  }
0x31: {  	[tilespmem:s14+$0x3480] =	vst v0  }
0x32: {  	[tilespmem:s14+$0x3500] =	vst v0  }
0x33: {  	[tilespmem:s14+$0x3580] =	vst v0  }
0x34: {  	[tilespmem:s14+$0x3600] =	vst v0  }
0x35: {  	[tilespmem:s14+$0x3680] =	vst v0  }
0x36: {  	[tilespmem:s14+$0x3700] =	vst v0  }
0x37: {  	[tilespmem:s14+$0x3780] =	vst v0  }
0x38: {  	[tilespmem:s14+$0x3800] =	vst v0  }
0x39: {  	[tilespmem:s14+$0x3880] =	vst v0  }
0x3a: {  	[tilespmem:s14+$0x3900] =	vst v0  }
0x3b: {  	[tilespmem:s14+$0x3980] =	vst v0  }
0x3c: {  	[tilespmem:s14+$0x3A00] =	vst v0  }
0x3d: {  	[tilespmem:s14+$0x3A80] =	vst v0  }
0x3e: {  	[tilespmem:s14+$0x3B00] =	vst v0  }
0x3f: {  	[tilespmem:s14+$0x3B80] =	vst v0  }
0x40: {  	[tilespmem:s14+$0x3C00] =	vst v0  }
0x41: {  	[tilespmem:s14+$0x3C80] =	vst v0  }
0x42: {  	[tilespmem:s14+$0x3D00] =	vst v0  }
0x43: {  	[tilespmem:s14+$0x3D80] =	vst v0  }
0x44: {  	[tilespmem:s14+$0x3E00] =	vst v0  }
0x45: {  	[tilespmem:s14+$0x3E80] =	vst v0  }
0x46: {  	[tilespmem:s14+$0x3F00] =	vst v0  }
0x47: {  	[tilespmem:s14+$0x3F80] =	vst v0  }
0x48: {  	[tilespmem:s14+$0x4000] =	vst v0  }
0x49: {  	[tilespmem:s14+$0x4080] =	vst v0  }
0x4a: {  	[tilespmem:s14+$0x4100] =	vst v0  }
0x4b: {  	[tilespmem:s14+$0x4180] =	vst v0  }
0x4c: {  	[tilespmem:s14+$0x4200] =	vst v0  }
0x4d: {  	[tilespmem:s14+$0x4280] =	vst v0  }
0x4e: {  	[tilespmem:s14+$0x4300] =	vst v0  }
0x4f: {  	[tilespmem:s14+$0x4380] =	vst v0  }
0x50: {  	[tilespmem:s14+$0x4400] =	vst v0  }
0x51: {  	[tilespmem:s14+$0x4480] =	vst v0  }
0x52: {  	[tilespmem:s14+$0x4500] =	vst v0  }
0x53: {  	[tilespmem:s14+$0x4580] =	vst v0  }
0x54: {  	[tilespmem:s14+$0x4600] =	vst v0  }
0x55: {  	[tilespmem:s14+$0x4680] =	vst v0  }
0x56: {  	[tilespmem:s14+$0x4700] =	vst v0  }
0x57: {  	[tilespmem:s14+$0x4780] =	vst v0  }
0x58: {  	[tilespmem:s14+$0x4800] =	vst v0  }
0x59: {  	[tilespmem:s14+$0x4880] =	vst v0  }
0x5a: {  	[tilespmem:s14+$0x4900] =	vst v0  }
0x5b: {  	[tilespmem:s14+$0x4980] =	vst v0  }
0x5c: {  	[tilespmem:s14+$0x4A00] =	vst v0  }
0x5d: {  	[tilespmem:s14+$0x4A80] =	vst v0  }
0x5e: {  	[tilespmem:s14+$0x4B00] =	vst v0  }
0x5f: {  	[tilespmem:s14+$0x4B80] =	vst v0  }
0x60: {  	[tilespmem:s14+$0x4C00] =	vst v0  }
0x61: {  	[tilespmem:s14+$0x4C80] =	vst v0  }
0x62: {  	[tilespmem:s14+$0x4D00] =	vst v0  }
0x63: {  	[tilespmem:s14+$0x4D80] =	vst v0  }
0x64: {  	[tilespmem:s14+$0x4E00] =	vst v0  }
0x65: {  	[tilespmem:s14+$0x4E80] =	vst v0  }
0x66: {  	[tilespmem:s14+$0x4F00] =	vst v0  }
0x67: {  	[tilespmem:s14+$0x4F80] =	vst v0  }
0x68: {  	[tilespmem:s14+$0x5000] =	vst v0  }
0x69: {  	[tilespmem:s14+$0x5080] =	vst v0  }
0x6a: {  	[tilespmem:s14+$0x5100] =	vst v0  }
.Ltmp0:
0x6b: {  	[tilespmem:s14+$0x5180] =	vst v0;
	(pc) =	sbr.rel @p0 .LBB2_2-.Ltmp0, $4  }
0x6c: {  	[tilespmem:s14+$0x5200] =	vst v0  }
0x6d: {  	[tilespmem:s14+$0x5280] =	vst v0  }
0x6e: {  	[tilespmem:s14+$0x5300] =	vst v0  }
0x6f: {  	[tilespmem:s14+$0x5380] =	vst v0;
	s14 =	sshra.s32 s15, $0x2;
	s15 =	sadd.s32 $0x40, s15  }
0x70: {  	[tilespmem:s14+$0x5400] =	vst v0  }
0x71: {  	[tilespmem:s14+$0x2480] =	vst v0  }
0x72: {  	[tilespmem:s14+$0x2500] =	vst v0  }
0x73: {  	[tilespmem:s14+$0x2580] =	vst v0  }
0x74: {  	[tilespmem:s14+$0x2600] =	vst v0  }
0x75: {  	[tilespmem:s14+$0x2680] =	vst v0  }
0x76: {  	[tilespmem:s14+$0x2700] =	vst v0  }
0x77: {  	[tilespmem:s14+$0x2780] =	vst v0  }
0x78: {  	[tilespmem:s14+$0x2800] =	vst v0  }
0x79: {  	[tilespmem:s14+$0x2880] =	vst v0  }
0x7a: {  	[tilespmem:s14+$0x2900] =	vst v0  }
0x7b: {  	[tilespmem:s14+$0x2980] =	vst v0  }
0x7c: {  	[tilespmem:s14+$0x2A00] =	vst v0  }
0x7d: {  	[tilespmem:s14+$0x2A80] =	vst v0  }
0x7e: {  	[tilespmem:s14+$0x2B00] =	vst v0  }
0x7f: {  	[tilespmem:s14+$0x2B80] =	vst v0  }
0x80: {  	[tilespmem:s14+$0x2C00] =	vst v0  }
0x81: {  	[tilespmem:s14+$0x2C80] =	vst v0  }
0x82: {  	[tilespmem:s14+$0x2D00] =	vst v0  }
0x83: {  	[tilespmem:s14+$0x2D80] =	vst v0  }
0x84: {  	[tilespmem:s14+$0x2E00] =	vst v0  }
0x85: {  	[tilespmem:s14+$0x2E80] =	vst v0  }
0x86: {  	[tilespmem:s14+$0x2F00] =	vst v0  }
0x87: {  	[tilespmem:s14+$0x2F80] =	vst v0  }
0x88: {  	[tilespmem:s14+$0x3000] =	vst v0  }
0x89: {  	[tilespmem:s14+$0x3080] =	vst v0  }
0x8a: {  	[tilespmem:s14+$0x3100] =	vst v0  }
0x8b: {  	[tilespmem:s14+$0x3180] =	vst v0  }
0x8c: {  	[tilespmem:s14+$0x3200] =	vst v0  }
0x8d: {  	[tilespmem:s14+$0x3280] =	vst v0  }
0x8e: {  	[tilespmem:s14+$0x3300] =	vst v0  }
0x8f: {  	[tilespmem:s14+$0x3380] =	vst v0  }
0x90: {  	[tilespmem:s14+$0x3400] =	vst v0  }
0x91: {  	[tilespmem:s14+$0x3480] =	vst v0  }
0x92: {  	[tilespmem:s14+$0x3500] =	vst v0  }
0x93: {  	[tilespmem:s14+$0x3580] =	vst v0  }
0x94: {  	[tilespmem:s14+$0x3600] =	vst v0  }
0x95: {  	[tilespmem:s14+$0x3680] =	vst v0  }
0x96: {  	[tilespmem:s14+$0x3700] =	vst v0  }
0x97: {  	[tilespmem:s14+$0x3780] =	vst v0  }
0x98: {  	[tilespmem:s14+$0x3800] =	vst v0  }
0x99: {  	[tilespmem:s14+$0x3880] =	vst v0  }
0x9a: {  	[tilespmem:s14+$0x3900] =	vst v0  }
0x9b: {  	[tilespmem:s14+$0x3980] =	vst v0  }
0x9c: {  	[tilespmem:s14+$0x3A00] =	vst v0  }
0x9d: {  	[tilespmem:s14+$0x3A80] =	vst v0  }
0x9e: {  	[tilespmem:s14+$0x3B00] =	vst v0  }
0x9f: {  	[tilespmem:s14+$0x3B80] =	vst v0  }
0xa0: {  	[tilespmem:s14+$0x3C00] =	vst v0  }
0xa1: {  	[tilespmem:s14+$0x3C80] =	vst v0  }
0xa2: {  	[tilespmem:s14+$0x3D00] =	vst v0  }
0xa3: {  	[tilespmem:s14+$0x3D80] =	vst v0  }
0xa4: {  	[tilespmem:s14+$0x3E00] =	vst v0  }
0xa5: {  	[tilespmem:s14+$0x3E80] =	vst v0  }
0xa6: {  	[tilespmem:s14+$0x3F00] =	vst v0  }
0xa7: {  	[tilespmem:s14+$0x3F80] =	vst v0  }
0xa8: {  	[tilespmem:s14+$0x4000] =	vst v0  }
0xa9: {  	[tilespmem:s14+$0x4080] =	vst v0  }
0xaa: {  	[tilespmem:s14+$0x4100] =	vst v0  }
0xab: {  	[tilespmem:s14+$0x4180] =	vst v0  }
0xac: {  	[tilespmem:s14+$0x4200] =	vst v0  }
0xad: {  	[tilespmem:s14+$0x4280] =	vst v0  }
0xae: {  	[tilespmem:s14+$0x4300] =	vst v0  }
0xaf: {  	[tilespmem:s14+$0x4380] =	vst v0  }
0xb0: {  	[tilespmem:s14+$0x4400] =	vst v0  }
0xb1: {  	[tilespmem:s14+$0x4480] =	vst v0  }
0xb2: {  	[tilespmem:s14+$0x4500] =	vst v0  }
0xb3: {  	[tilespmem:s14+$0x4580] =	vst v0  }
0xb4: {  	[tilespmem:s14+$0x4600] =	vst v0  }
0xb5: {  	[tilespmem:s14+$0x4680] =	vst v0  }
0xb6: {  	[tilespmem:s14+$0x4700] =	vst v0  }
0xb7: {  	[tilespmem:s14+$0x4780] =	vst v0  }
0xb8: {  	[tilespmem:s14+$0x4800] =	vst v0  }
0xb9: {  	[tilespmem:s14+$0x4880] =	vst v0  }
0xba: {  	[tilespmem:s14+$0x4900] =	vst v0  }
0xbb: {  	[tilespmem:s14+$0x4980] =	vst v0  }
0xbc: {  	[tilespmem:s14+$0x4A00] =	vst v0  }
0xbd: {  	[tilespmem:s14+$0x4A80] =	vst v0  }
0xbe: {  	[tilespmem:s14+$0x4B00] =	vst v0  }
0xbf: {  	[tilespmem:s14+$0x4B80] =	vst v0  }
0xc0: {  	[tilespmem:s14+$0x4C00] =	vst v0  }
0xc1: {  	[tilespmem:s14+$0x4C80] =	vst v0  }
0xc2: {  	[tilespmem:s14+$0x4D00] =	vst v0  }
0xc3: {  	[tilespmem:s14+$0x4D80] =	vst v0  }
0xc4: {  	[tilespmem:s14+$0x4E00] =	vst v0  }
0xc5: {  	[tilespmem:s14+$0x4E80] =	vst v0  }
0xc6: {  	[tilespmem:s14+$0x4F00] =	vst v0  }
0xc7: {  	[tilespmem:s14+$0x4F80] =	vst v0  }
0xc8: {  	[tilespmem:s14+$0x5000] =	vst v0  }
0xc9: {  	[tilespmem:s14+$0x5080] =	vst v0  }
0xca: {  	[tilespmem:s14+$0x5100] =	vst v0  }
0xcb: {  	[tilespmem:s14+$0x5180] =	vst v0  }
0xcc: {  	[tilespmem:s14+$0x5200] =	vst v0  }
0xcd: {  	[tilespmem:s14+$0x5280] =	vst v0  }
0xce: {  	[tilespmem:s14+$0x5300] =	vst v0  }
0xcf: {  	[tilespmem:s14+$0x5380] =	vst v0;
	s14 =	simm.s32 $0x0;
	s15 =	simm.s32 $0x1080  }
.LBB2_4:
0xd0: {  	v4 =	vld [tilespmem:s15+$0xFFFFEF80];
	_ =	sdelay $0x4  }
0xd1: {  	v3 =	vor.u32 s14, v1;
	v4 =	vshll.u32 v4, $0x7  }
0xd2: {  	v4 =	vadd.s32 v3, v4;
	_ =	sdelay $0x4  }
0xd3: {  	[tilespmem:v4+s11+$0x0] =	vst.idx.add.f32.msk $0xffff, v2  }
0xd4: {  	v4 =	vld [tilespmem:s15+$0xFFFFF000];
	_ =	sdelay $0x4  }
0xd5: {  	v4 =	vshll.u32 v4, $0x7  }
0xd6: {  	v4 =	vadd.s32 v3, v4;
	_ =	sdelay $0x4  }
0xd7: {  	[tilespmem:v4+s11+$0x0] =	vst.idx.add.f32.msk $0xffff, v2  }
0xd8: {  	v4 =	vld [tilespmem:s15+$0xFFFFF080];
	_ =	sdelay $0x4  }
0xd9: {  	v4 =	vshll.u32 v4, $0x7  }
0xda: {  	v4 =	vadd.s32 v3, v4;
	_ =	sdelay $0x4  }
0xdb: {  	[tilespmem:v4+s11+$0x0] =	vst.idx.add.f32.msk $0xffff, v2  }
0xdc: {  	v4 =	vld [tilespmem:s15+$0xFFFFF100];
	_ =	sdelay $0x4  }
0xdd: {  	v4 =	vshll.u32 v4, $0x7  }
0xde: {  	v4 =	vadd.s32 v3, v4;
	_ =	sdelay $0x4  }
0xdf: {  	[tilespmem:v4+s11+$0x0] =	vst.idx.add.f32.msk $0xffff, v2  }
0xe0: {  	v4 =	vld [tilespmem:s15+$0xFFFFF180];
	_ =	sdelay $0x4  }
0xe1: {  	v4 =	vshll.u32 v4, $0x7  }
0xe2: {  	v4 =	vadd.s32 v3, v4;
	_ =	sdelay $0x4  }
0xe3: {  	[tilespmem:v4+s11+$0x0] =	vst.idx.add.f32.msk $0xffff, v2  }
0xe4: {  	v4 =	vld [tilespmem:s15+$0xFFFFF200];
	_ =	sdelay $0x4  }
0xe5: {  	v4 =	vshll.u32 v4, $0x7  }
0xe6: {  	v4 =	vadd.s32 v3, v4;
	_ =	sdelay $0x4  }
0xe7: {  	[tilespmem:v4+s11+$0x0] =	vst.idx.add.f32.msk $0xffff, v2  }
0xe8: {  	v4 =	vld [tilespmem:s15+$0xFFFFF280];
	_ =	sdelay $0x4  }
0xe9: {  	v4 =	vshll.u32 v4, $0x7  }
0xea: {  	v4 =	vadd.s32 v3, v4;
	_ =	sdelay $0x4  }
0xeb: {  	[tilespmem:v4+s11+$0x0] =	vst.idx.add.f32.msk $0xffff, v2  }
0xec: {  	v4 =	vld [tilespmem:s15+$0xFFFFF300];
	_ =	sdelay $0x4  }
0xed: {  	v4 =	vshll.u32 v4, $0x7  }
0xee: {  	v4 =	vadd.s32 v3, v4;
	_ =	sdelay $0x4  }
0xef: {  	[tilespmem:v4+s11+$0x0] =	vst.idx.add.f32.msk $0xffff, v2  }
0xf0: {  	v4 =	vld [tilespmem:s15+$0xFFFFF380];
	_ =	sdelay $0x4  }
0xf1: {  	v4 =	vshll.u32 v4, $0x7  }
0xf2: {  	v4 =	vadd.s32 v3, v4;
	_ =	sdelay $0x4  }
0xf3: {  	[tilespmem:v4+s11+$0x0] =	vst.idx.add.f32.msk $0xffff, v2  }
0xf4: {  	v4 =	vld [tilespmem:s15+$0xFFFFF400];
	_ =	sdelay $0x4  }
0xf5: {  	v4 =	vshll.u32 v4, $0x7  }
0xf6: {  	v4 =	vadd.s32 v3, v4;
	_ =	sdelay $0x4  }
0xf7: {  	[tilespmem:v4+s11+$0x0] =	vst.idx.add.f32.msk $0xffff, v2  }
0xf8: {  	v4 =	vld [tilespmem:s15+$0xFFFFF480];
	_ =	sdelay $0x4  }
0xf9: {  	v4 =	vshll.u32 v4, $0x7  }
0xfa: {  	v4 =	vadd.s32 v3, v4;
	_ =	sdelay $0x4  }
0xfb: {  	[tilespmem:v4+s11+$0x0] =	vst.idx.add.f32.msk $0xffff, v2  }
0xfc: {  	v4 =	vld [tilespmem:s15+$0xFFFFF500];
	_ =	sdelay $0x4  }
0xfd: {  	v4 =	vshll.u32 v4, $0x7  }
0xfe: {  	v4 =	vadd.s32 v3, v4  }
0xff: {  	v4 =	vadd.s32 $0xC00, v4;
	_ =	sdelay $0x4  }
0x100: {  	[tilespmem:v4+s11+$0x0] =	vst.idx.add.f32.msk $0xffff, v2  }
0x101: {  	v4 =	vld [tilespmem:s15+$0xFFFFF580];
	_ =	sdelay $0x4  }
0x102: {  	v4 =	vshll.u32 v4, $0x7  }
0x103: {  	v4 =	vadd.s32 v3, v4  }
0x104: {  	v4 =	vadd.s32 $0xC00, v4;
	_ =	sdelay $0x4  }
0x105: {  	[tilespmem:v4+s11+$0x0] =	vst.idx.add.f32.msk $0xffff, v2  }
0x106: {  	v4 =	vld [tilespmem:s15+$0xFFFFF600];
	_ =	sdelay $0x4  }
0x107: {  	v4 =	vshll.u32 v4, $0x7  }
0x108: {  	v4 =	vadd.s32 v3, v4  }
0x109: {  	v4 =	vadd.s32 $0xC00, v4;
	_ =	sdelay $0x4  }
0x10a: {  	[tilespmem:v4+s11+$0x0] =	vst.idx.add.f32.msk $0xffff, v2  }
0x10b: {  	v4 =	vld [tilespmem:s15+$0xFFFFF680];
	_ =	sdelay $0x4  }
0x10c: {  	v4 =	vshll.u32 v4, $0x7  }
0x10d: {  	v4 =	vadd.s32 v3, v4  }
0x10e: {  	v4 =	vadd.s32 $0xC00, v4;
	_ =	sdelay $0x4  }
0x10f: {  	[tilespmem:v4+s11+$0x0] =	vst.idx.add.f32.msk $0xffff, v2  }
0x110: {  	v4 =	vld [tilespmem:s15+$0xFFFFF700];
	_ =	sdelay $0x4  }
0x111: {  	v4 =	vshll.u32 v4, $0x7  }
0x112: {  	v4 =	vadd.s32 v3, v4  }
0x113: {  	v4 =	vadd.s32 $0xC00, v4;
	_ =	sdelay $0x4  }
0x114: {  	[tilespmem:v4+s11+$0x0] =	vst.idx.add.f32.msk $0xffff, v2  }
0x115: {  	v4 =	vld [tilespmem:s15+$0xFFFFF780];
	_ =	sdelay $0x4  }
0x116: {  	v4 =	vshll.u32 v4, $0x7  }
0x117: {  	v4 =	vadd.s32 v3, v4  }
0x118: {  	v4 =	vadd.s32 $0xC00, v4;
	_ =	sdelay $0x4  }
0x119: {  	[tilespmem:v4+s11+$0x0] =	vst.idx.add.f32.msk $0xffff, v2  }
0x11a: {  	v4 =	vld [tilespmem:s15+$0xFFFFF800];
	_ =	sdelay $0x4  }
0x11b: {  	v4 =	vshll.u32 v4, $0x7  }
0x11c: {  	v4 =	vadd.s32 v3, v4  }
0x11d: {  	v4 =	vadd.s32 $0xC00, v4;
	_ =	sdelay $0x4  }
0x11e: {  	[tilespmem:v4+s11+$0x0] =	vst.idx.add.f32.msk $0xffff, v2  }
0x11f: {  	v4 =	vld [tilespmem:s15+$0xFFFFF880];
	_ =	sdelay $0x4  }
0x120: {  	v4 =	vshll.u32 v4, $0x7  }
0x121: {  	v4 =	vadd.s32 v3, v4  }
0x122: {  	v4 =	vadd.s32 $0xC00, v4;
	_ =	sdelay $0x4  }
0x123: {  	[tilespmem:v4+s11+$0x0] =	vst.idx.add.f32.msk $0xffff, v2  }
0x124: {  	v4 =	vld [tilespmem:s15+$0xFFFFF900];
	_ =	sdelay $0x4  }
0x125: {  	v4 =	vshll.u32 v4, $0x7  }
0x126: {  	v4 =	vadd.s32 v3, v4  }
0x127: {  	v4 =	vadd.s32 $0xC00, v4;
	_ =	sdelay $0x4  }
0x128: {  	[tilespmem:v4+s11+$0x0] =	vst.idx.add.f32.msk $0xffff, v2  }
0x129: {  	v4 =	vld [tilespmem:s15+$0xFFFFF980];
	_ =	sdelay $0x4  }
0x12a: {  	v4 =	vshll.u32 v4, $0x7  }
0x12b: {  	v4 =	vadd.s32 v3, v4  }
0x12c: {  	v4 =	vadd.s32 $0xC00, v4;
	_ =	sdelay $0x4  }
0x12d: {  	[tilespmem:v4+s11+$0x0] =	vst.idx.add.f32.msk $0xffff, v2  }
0x12e: {  	v4 =	vld [tilespmem:s15+$0xFFFFFA00];
	_ =	sdelay $0x4  }
0x12f: {  	v4 =	vshll.u32 v4, $0x7  }
0x130: {  	v4 =	vadd.s32 v3, v4  }
0x131: {  	v4 =	vadd.s32 $0xC00, v4;
	_ =	sdelay $0x4  }
0x132: {  	[tilespmem:v4+s11+$0x0] =	vst.idx.add.f32.msk $0xffff, v2  }
0x133: {  	v4 =	vld [tilespmem:s15+$0xFFFFFA80];
	_ =	sdelay $0x4  }
0x134: {  	v4 =	vshll.u32 v4, $0x7  }
0x135: {  	v4 =	vadd.s32 v3, v4  }
0x136: {  	v4 =	vadd.s32 $0x1800, v4;
	_ =	sdelay $0x4  }
0x137: {  	[tilespmem:v4+s11+$0x0] =	vst.idx.add.f32.msk $0xffff, v2  }
0x138: {  	v4 =	vld [tilespmem:s15+$0xFFFFFB00];
	_ =	sdelay $0x4  }
0x139: {  	v4 =	vshll.u32 v4, $0x7  }
0x13a: {  	v4 =	vadd.s32 v3, v4  }
0x13b: {  	v4 =	vadd.s32 $0x1800, v4;
	_ =	sdelay $0x4  }
0x13c: {  	[tilespmem:v4+s11+$0x0] =	vst.idx.add.f32.msk $0xffff, v2  }
0x13d: {  	v4 =	vld [tilespmem:s15+$0xFFFFFB80];
	_ =	sdelay $0x4  }
0x13e: {  	v4 =	vshll.u32 v4, $0x7  }
0x13f: {  	v4 =	vadd.s32 v3, v4  }
0x140: {  	v4 =	vadd.s32 $0x1800, v4;
	_ =	sdelay $0x4  }
0x141: {  	[tilespmem:v4+s11+$0x0] =	vst.idx.add.f32.msk $0xffff, v2  }
0x142: {  	v4 =	vld [tilespmem:s15+$0xFFFFFC00];
	_ =	sdelay $0x4  }
0x143: {  	v4 =	vshll.u32 v4, $0x7  }
0x144: {  	v4 =	vadd.s32 v3, v4  }
0x145: {  	v4 =	vadd.s32 $0x1800, v4;
	_ =	sdelay $0x4  }
0x146: {  	[tilespmem:v4+s11+$0x0] =	vst.idx.add.f32.msk $0xffff, v2  }
0x147: {  	v4 =	vld [tilespmem:s15+$0xFFFFFC80];
	_ =	sdelay $0x4  }
0x148: {  	v4 =	vshll.u32 v4, $0x7  }
0x149: {  	v4 =	vadd.s32 v3, v4  }
0x14a: {  	v4 =	vadd.s32 $0x1800, v4;
	_ =	sdelay $0x4  }
0x14b: {  	[tilespmem:v4+s11+$0x0] =	vst.idx.add.f32.msk $0xffff, v2  }
0x14c: {  	v4 =	vld [tilespmem:s15+$0xFFFFFD00];
	_ =	sdelay $0x4  }
0x14d: {  	v4 =	vshll.u32 v4, $0x7  }
0x14e: {  	v4 =	vadd.s32 v3, v4  }
0x14f: {  	v4 =	vadd.s32 $0x1800, v4;
	_ =	sdelay $0x4  }
0x150: {  	[tilespmem:v4+s11+$0x0] =	vst.idx.add.f32.msk $0xffff, v2  }
0x151: {  	v4 =	vld [tilespmem:s15+$0xFFFFFD80];
	_ =	sdelay $0x4  }
0x152: {  	v4 =	vshll.u32 v4, $0x7  }
0x153: {  	v4 =	vadd.s32 v3, v4  }
0x154: {  	v4 =	vadd.s32 $0x1800, v4;
	_ =	sdelay $0x4  }
0x155: {  	[tilespmem:v4+s11+$0x0] =	vst.idx.add.f32.msk $0xffff, v2  }
0x156: {  	v4 =	vld [tilespmem:s15+$0xFFFFFE00];
	_ =	sdelay $0x4  }
0x157: {  	v4 =	vshll.u32 v4, $0x7  }
0x158: {  	v4 =	vadd.s32 v3, v4  }
0x159: {  	v4 =	vadd.s32 $0x1800, v4;
	_ =	sdelay $0x4  }
0x15a: {  	[tilespmem:v4+s11+$0x0] =	vst.idx.add.f32.msk $0xffff, v2  }
0x15b: {  	v4 =	vld [tilespmem:s15+$0xFFFFFE80];
	_ =	sdelay $0x4  }
0x15c: {  	v4 =	vshll.u32 v4, $0x7  }
0x15d: {  	v4 =	vadd.s32 v3, v4  }
0x15e: {  	v4 =	vadd.s32 $0x1800, v4;
	_ =	sdelay $0x4  }
0x15f: {  	[tilespmem:v4+s11+$0x0] =	vst.idx.add.f32.msk $0xffff, v2  }
0x160: {  	v4 =	vld [tilespmem:s15+$0xFFFFFF00];
	_ =	sdelay $0x4  }
0x161: {  	v4 =	vshll.u32 v4, $0x7  }
0x162: {  	v4 =	vadd.s32 v3, v4  }
0x163: {  	v4 =	vadd.s32 $0x1800, v4;
	_ =	sdelay $0x4  }
0x164: {  	[tilespmem:v4+s11+$0x0] =	vst.idx.add.f32.msk $0xffff, v2  }
0x165: {  	v4 =	vld [tilespmem:s15+$0xFFFFFF80];
	_ =	sdelay $0x4  }
0x166: {  	v4 =	vshll.u32 v4, $0x7  }
0x167: {  	v4 =	vadd.s32 v3, v4  }
0x168: {  	v4 =	vadd.s32 $0x1800, v4;
	_ =	sdelay $0x4  }
0x169: {  	[tilespmem:v4+s11+$0x0] =	vst.idx.add.f32.msk $0xffff, v2  }
0x16a: {  	v4 =	vld [tilespmem:s15+$0x0];
	_ =	sdelay $0x4  }
0x16b: {  	v4 =	vshll.u32 v4, $0x7  }
0x16c: {  	v4 =	vadd.s32 v3, v4  }
0x16d: {  	v4 =	vadd.s32 $0x1800, v4;
	_ =	sdelay $0x4  }
0x16e: {  	[tilespmem:v4+s11+$0x0] =	vst.idx.add.f32.msk $0xffff, v2  }
0x16f: {  	v4 =	vld [tilespmem:s15+$0x80];
	_ =	sdelay $0x4  }
0x170: {  	v4 =	vshll.u32 v4, $0x7  }
0x171: {  	v4 =	vadd.s32 v3, v4  }
0x172: {  	v4 =	vadd.s32 $0x1800, v4;
	_ =	sdelay $0x4  }
0x173: {  	[tilespmem:v4+s11+$0x0] =	vst.idx.add.f32.msk $0xffff, v2  }
0x174: {  	v4 =	vld [tilespmem:s15+$0x100];
	_ =	sdelay $0x4  }
0x175: {  	v4 =	vshll.u32 v4, $0x7  }
0x176: {  	v4 =	vadd.s32 v3, v4  }
0x177: {  	v4 =	vadd.s32 $0x1800, v4;
	_ =	sdelay $0x4  }
0x178: {  	[tilespmem:v4+s11+$0x0] =	vst.idx.add.f32.msk $0xffff, v2  }
0x179: {  	v4 =	vld [tilespmem:s15+$0x180];
	_ =	sdelay $0x4  }
0x17a: {  	v4 =	vshll.u32 v4, $0x7  }
0x17b: {  	v4 =	vadd.s32 v3, v4  }
0x17c: {  	v4 =	vadd.s32 $0x1800, v4;
	_ =	sdelay $0x4  }
0x17d: {  	[tilespmem:v4+s11+$0x0] =	vst.idx.add.f32.msk $0xffff, v2  }
0x17e: {  	v4 =	vld [tilespmem:s15+$0x200];
	_ =	sdelay $0x4  }
0x17f: {  	v4 =	vshll.u32 v4, $0x7  }
0x180: {  	v4 =	vadd.s32 v3, v4  }
0x181: {  	v4 =	vadd.s32 $0x1800, v4;
	_ =	sdelay $0x4  }
0x182: {  	[tilespmem:v4+s11+$0x0] =	vst.idx.add.f32.msk $0xffff, v2  }
0x183: {  	v4 =	vld [tilespmem:s15+$0x280];
	_ =	sdelay $0x4  }
0x184: {  	v4 =	vshll.u32 v4, $0x7  }
0x185: {  	v4 =	vadd.s32 v3, v4  }
0x186: {  	v4 =	vadd.s32 $0x1800, v4;
	_ =	sdelay $0x4  }
0x187: {  	[tilespmem:v4+s11+$0x0] =	vst.idx.add.f32.msk $0xffff, v2  }
0x188: {  	v4 =	vld [tilespmem:s15+$0x300];
	_ =	sdelay $0x4  }
0x189: {  	v4 =	vshll.u32 v4, $0x7  }
0x18a: {  	v4 =	vadd.s32 v3, v4  }
0x18b: {  	v4 =	vadd.s32 $0x1800, v4;
	_ =	sdelay $0x4  }
0x18c: {  	[tilespmem:v4+s11+$0x0] =	vst.idx.add.f32.msk $0xffff, v2  }
0x18d: {  	v4 =	vld [tilespmem:s15+$0x380];
	_ =	sdelay $0x4  }
0x18e: {  	v4 =	vshll.u32 v4, $0x7  }
0x18f: {  	v4 =	vadd.s32 v3, v4  }
0x190: {  	v4 =	vadd.s32 $0x1800, v4;
	_ =	sdelay $0x4  }
0x191: {  	[tilespmem:v4+s11+$0x0] =	vst.idx.add.f32.msk $0xffff, v2  }
0x192: {  	v4 =	vld [tilespmem:s15+$0x400];
	_ =	sdelay $0x4  }
0x193: {  	v4 =	vshll.u32 v4, $0x7  }
0x194: {  	v4 =	vadd.s32 v3, v4  }
0x195: {  	v4 =	vadd.s32 $0x1800, v4;
	_ =	sdelay $0x4  }
0x196: {  	[tilespmem:v4+s11+$0x0] =	vst.idx.add.f32.msk $0xffff, v2  }
0x197: {  	v4 =	vld [tilespmem:s15+$0x480];
	_ =	sdelay $0x4  }
0x198: {  	v4 =	vshll.u32 v4, $0x7  }
0x199: {  	v4 =	vadd.s32 v3, v4  }
0x19a: {  	v4 =	vadd.s32 $0x1800, v4;
	_ =	sdelay $0x4  }
0x19b: {  	[tilespmem:v4+s11+$0x0] =	vst.idx.add.f32.msk $0xffff, v2  }
0x19c: {  	v4 =	vld [tilespmem:s15+$0x500];
	_ =	sdelay $0x4  }
0x19d: {  	v4 =	vshll.u32 v4, $0x7  }
0x19e: {  	v4 =	vadd.s32 v3, v4  }
0x19f: {  	v4 =	vadd.s32 $0x1800, v4;
	_ =	sdelay $0x4  }
0x1a0: {  	[tilespmem:v4+s11+$0x0] =	vst.idx.add.f32.msk $0xffff, v2  }
0x1a1: {  	v4 =	vld [tilespmem:s15+$0x580];
	_ =	sdelay $0x4  }
0x1a2: {  	v4 =	vshll.u32 v4, $0x7  }
0x1a3: {  	v4 =	vadd.s32 v3, v4  }
0x1a4: {  	v4 =	vadd.s32 $0x1800, v4;
	_ =	sdelay $0x4  }
0x1a5: {  	[tilespmem:v4+s11+$0x0] =	vst.idx.add.f32.msk $0xffff, v2  }
0x1a6: {  	v4 =	vld [tilespmem:s15+$0x600];
	_ =	sdelay $0x4  }
0x1a7: {  	v4 =	vshll.u32 v4, $0x7  }
0x1a8: {  	v4 =	vadd.s32 v3, v4  }
0x1a9: {  	v4 =	vadd.s32 $0x1800, v4;
	_ =	sdelay $0x4  }
0x1aa: {  	[tilespmem:v4+s11+$0x0] =	vst.idx.add.f32.msk $0xffff, v2  }
0x1ab: {  	v4 =	vld [tilespmem:s15+$0x680];
	_ =	sdelay $0x4  }
0x1ac: {  	v4 =	vshll.u32 v4, $0x7  }
0x1ad: {  	v4 =	vadd.s32 v3, v4  }
0x1ae: {  	v4 =	vadd.s32 $0x1800, v4;
	_ =	sdelay $0x4  }
0x1af: {  	[tilespmem:v4+s11+$0x0] =	vst.idx.add.f32.msk $0xffff, v2  }
0x1b0: {  	v4 =	vld [tilespmem:s15+$0x700];
	_ =	sdelay $0x4  }
0x1b1: {  	v4 =	vshll.u32 v4, $0x7  }
0x1b2: {  	v4 =	vadd.s32 v3, v4  }
0x1b3: {  	v4 =	vadd.s32 $0x1800, v4;
	_ =	sdelay $0x4  }
0x1b4: {  	[tilespmem:v4+s11+$0x0] =	vst.idx.add.f32.msk $0xffff, v2  }
0x1b5: {  	v4 =	vld [tilespmem:s15+$0x780];
	_ =	sdelay $0x4  }
0x1b6: {  	v4 =	vshll.u32 v4, $0x7  }
0x1b7: {  	v4 =	vadd.s32 v3, v4  }
0x1b8: {  	v4 =	vadd.s32 $0x1800, v4;
	_ =	sdelay $0x4  }
0x1b9: {  	[tilespmem:v4+s11+$0x0] =	vst.idx.add.f32.msk $0xffff, v2  }
0x1ba: {  	v4 =	vld [tilespmem:s15+$0x800];
	_ =	sdelay $0x4  }
0x1bb: {  	v4 =	vshll.u32 v4, $0x7  }
0x1bc: {  	v4 =	vadd.s32 v3, v4  }
0x1bd: {  	v4 =	vadd.s32 $0x1800, v4;
	_ =	sdelay $0x4  }
0x1be: {  	[tilespmem:v4+s11+$0x0] =	vst.idx.add.f32.msk $0xffff, v2  }
0x1bf: {  	v4 =	vld [tilespmem:s15+$0x880];
	_ =	sdelay $0x4  }
0x1c0: {  	v4 =	vshll.u32 v4, $0x7  }
0x1c1: {  	v4 =	vadd.s32 v3, v4  }
0x1c2: {  	v4 =	vadd.s32 $0x1800, v4;
	_ =	sdelay $0x4  }
0x1c3: {  	[tilespmem:v4+s11+$0x0] =	vst.idx.add.f32.msk $0xffff, v2  }
0x1c4: {  	v4 =	vld [tilespmem:s15+$0x900];
	_ =	sdelay $0x4  }
0x1c5: {  	v4 =	vshll.u32 v4, $0x7  }
0x1c6: {  	v4 =	vadd.s32 v3, v4  }
0x1c7: {  	v4 =	vadd.s32 $0x1800, v4;
	_ =	sdelay $0x4  }
0x1c8: {  	[tilespmem:v4+s11+$0x0] =	vst.idx.add.f32.msk $0xffff, v2  }
0x1c9: {  	v4 =	vld [tilespmem:s15+$0x980];
	_ =	sdelay $0x4  }
0x1ca: {  	v4 =	vshll.u32 v4, $0x7  }
0x1cb: {  	v4 =	vadd.s32 v3, v4  }
0x1cc: {  	v4 =	vadd.s32 $0x1800, v4;
	_ =	sdelay $0x4  }
0x1cd: {  	[tilespmem:v4+s11+$0x0] =	vst.idx.add.f32.msk $0xffff, v2  }
0x1ce: {  	v4 =	vld [tilespmem:s15+$0xA00];
	_ =	sdelay $0x4  }
0x1cf: {  	v4 =	vshll.u32 v4, $0x7  }
0x1d0: {  	v4 =	vadd.s32 v3, v4  }
0x1d1: {  	v4 =	vadd.s32 $0x1800, v4;
	_ =	sdelay $0x4  }
0x1d2: {  	[tilespmem:v4+s11+$0x0] =	vst.idx.add.f32.msk $0xffff, v2  }
0x1d3: {  	v4 =	vld [tilespmem:s15+$0xA80];
	_ =	sdelay $0x4  }
0x1d4: {  	v4 =	vshll.u32 v4, $0x7  }
0x1d5: {  	v4 =	vadd.s32 v3, v4  }
0x1d6: {  	v4 =	vadd.s32 $0x1800, v4;
	_ =	sdelay $0x4  }
0x1d7: {  	[tilespmem:v4+s11+$0x0] =	vst.idx.add.f32.msk $0xffff, v2  }
0x1d8: {  	v4 =	vld [tilespmem:s15+$0xB00];
	_ =	sdelay $0x4  }
0x1d9: {  	v4 =	vshll.u32 v4, $0x7  }
0x1da: {  	v4 =	vadd.s32 v3, v4  }
0x1db: {  	v4 =	vadd.s32 $0x1800, v4;
	_ =	sdelay $0x4  }
0x1dc: {  	[tilespmem:v4+s11+$0x0] =	vst.idx.add.f32.msk $0xffff, v2  }
0x1dd: {  	v4 =	vld [tilespmem:s15+$0xB80];
	_ =	sdelay $0x4  }
0x1de: {  	v4 =	vshll.u32 v4, $0x7  }
0x1df: {  	v4 =	vadd.s32 v3, v4  }
0x1e0: {  	v4 =	vadd.s32 $0x2400, v4;
	_ =	sdelay $0x4  }
0x1e1: {  	[tilespmem:v4+s11+$0x0] =	vst.idx.add.f32.msk $0xffff, v2  }
0x1e2: {  	v4 =	vld [tilespmem:s15+$0xC00];
	_ =	sdelay $0x4  }
0x1e3: {  	v4 =	vshll.u32 v4, $0x7  }
0x1e4: {  	v4 =	vadd.s32 v3, v4  }
0x1e5: {  	v4 =	vadd.s32 $0x2400, v4;
	_ =	sdelay $0x4  }
0x1e6: {  	[tilespmem:v4+s11+$0x0] =	vst.idx.add.f32.msk $0xffff, v2  }
0x1e7: {  	v4 =	vld [tilespmem:s15+$0xC80];
	_ =	sdelay $0x4  }
0x1e8: {  	v4 =	vshll.u32 v4, $0x7  }
0x1e9: {  	v4 =	vadd.s32 v3, v4  }
0x1ea: {  	v4 =	vadd.s32 $0x2400, v4;
	_ =	sdelay $0x4  }
0x1eb: {  	[tilespmem:v4+s11+$0x0] =	vst.idx.add.f32.msk $0xffff, v2  }
0x1ec: {  	v4 =	vld [tilespmem:s15+$0xD00];
	_ =	sdelay $0x4  }
0x1ed: {  	v4 =	vshll.u32 v4, $0x7  }
0x1ee: {  	v4 =	vadd.s32 v3, v4  }
0x1ef: {  	v4 =	vadd.s32 $0x2400, v4;
	_ =	sdelay $0x4  }
0x1f0: {  	[tilespmem:v4+s11+$0x0] =	vst.idx.add.f32.msk $0xffff, v2  }
0x1f1: {  	v4 =	vld [tilespmem:s15+$0xD80];
	_ =	sdelay $0x4  }
0x1f2: {  	v4 =	vshll.u32 v4, $0x7  }
0x1f3: {  	v4 =	vadd.s32 v3, v4  }
0x1f4: {  	v4 =	vadd.s32 $0x2400, v4;
	_ =	sdelay $0x4  }
0x1f5: {  	[tilespmem:v4+s11+$0x0] =	vst.idx.add.f32.msk $0xffff, v2  }
0x1f6: {  	v4 =	vld [tilespmem:s15+$0xE00];
	_ =	sdelay $0x4  }
0x1f7: {  	v4 =	vshll.u32 v4, $0x7  }
0x1f8: {  	v4 =	vadd.s32 v3, v4  }
0x1f9: {  	v4 =	vadd.s32 $0x2400, v4;
	_ =	sdelay $0x4  }
0x1fa: {  	[tilespmem:v4+s11+$0x0] =	vst.idx.add.f32.msk $0xffff, v2  }
0x1fb: {  	v4 =	vld [tilespmem:s15+$0xE80];
	_ =	sdelay $0x4  }
0x1fc: {  	v4 =	vshll.u32 v4, $0x7  }
0x1fd: {  	v4 =	vadd.s32 v3, v4  }
0x1fe: {  	v4 =	vadd.s32 $0x2400, v4;
	_ =	sdelay $0x4  }
0x1ff: {  	[tilespmem:v4+s11+$0x0] =	vst.idx.add.f32.msk $0xffff, v2  }
0x200: {  	v4 =	vld [tilespmem:s15+$0xF00];
	_ =	sdelay $0x4  }
0x201: {  	v4 =	vshll.u32 v4, $0x7  }
0x202: {  	v4 =	vadd.s32 v3, v4  }
0x203: {  	v4 =	vadd.s32 $0x2400, v4;
	_ =	sdelay $0x4  }
0x204: {  	[tilespmem:v4+s11+$0x0] =	vst.idx.add.f32.msk $0xffff, v2  }
0x205: {  	v4 =	vld [tilespmem:s15+$0xF80];
	_ =	sdelay $0x4  }
0x206: {  	v4 =	vshll.u32 v4, $0x7  }
0x207: {  	v4 =	vadd.s32 v3, v4  }
0x208: {  	v4 =	vadd.s32 $0x2400, v4;
	_ =	sdelay $0x4  }
0x209: {  	[tilespmem:v4+s11+$0x0] =	vst.idx.add.f32.msk $0xffff, v2  }
0x20a: {  	v4 =	vld [tilespmem:s15+$0x1000];
	_ =	sdelay $0x4  }
0x20b: {  	v4 =	vshll.u32 v4, $0x7  }
0x20c: {  	v4 =	vadd.s32 v3, v4  }
0x20d: {  	v4 =	vadd.s32 $0x2400, v4;
	_ =	sdelay $0x4  }
0x20e: {  	[tilespmem:v4+s11+$0x0] =	vst.idx.add.f32.msk $0xffff, v2  }
0x20f: {  	v4 =	vld [tilespmem:s15+$0x1080];
	_ =	sdelay $0x4  }
0x210: {  	v4 =	vshll.u32 v4, $0x7  }
0x211: {  	v3 =	vadd.s32 v3, v4  }
0x212: {  	p0 =	sne.s32 s14, $0x70;
	v3 =	vadd.s32 $0x2400, v3  }
.Ltmp1:
0x213: {  	_ = 	snop;
	(pc) =	sbr.rel @p0 .LBB2_4-.Ltmp1, $2  }
0x214: {  	_ =	sdelay $0x2  }
0x215: {  	s14 =	sadd.s32 $0x10, s14;
	s15 =	sadd.s32 $0x10, s15;
	[tilespmem:v3+s11+$0x0] =	vst.idx.add.f32.msk $0xffff, v2  }
0x216: {  	s13 =	sadd.s32 $0x1, s13  }
0x217: {  	p0 =	sne.s32 s13, s6  }
.Ltmp2:
0x218: {  	_ = 	snop;
	(pc) =	sbr.rel @p0 .LBB2_1-.Ltmp2, $4  }
0x219: {  	[hbm4b:s5+s7] =	stream.strided.scatter [tilespmem:s11], [sflag:$0x1], $0x3000, s12, s7, $0x38;
	[tilespmem:$0x5400] =	vst v63  }
0x21a: {  	_ =	swait.ge [sflag:s10], $0x3000  }
0x21b: {  	[sflag:s10] =	ssyncset.done $0x0  }
0x21c: {  	[sflag:s10] =	ssyncadd.s32 $0xFFFFD000  }
0x21d: {  	_ =	sfence.sel $0x180000  }
0x21e: {  	[bflag:$0x0] =	sbarrier.arrive $0xFFFF  }
0x21f: {  	p0 =	sne.s32 s1, $0x0;
	_ =	strace $0x90000047  }
0x220: {  	s0 =	sadd.s32 @!p0 $0x100000, s0;
	[bflag:$0x2] =	sbarrier.arrive $0xFFFF  }
0x221: {  	[sflag:s0] =	ssyncadd.tile.s32 @!p0 $0x1;
	_ =	shalt  }
.Lfunc_end2:
_tile_overlayer_lowered:
.L_overlay_start_2:
0x222: {  	(tag) =	ssettag $0x2  }
0x223: {  	s0 =	rddreg [dreg:$0x0];
	s2 =	stileid.u32  }
0x224: {  	s1 =	rddreg [dreg:$0x1];
	p0 =	sne.s32 s2, $0x0  }
0x225: {  	s3 =	rddreg [dreg:$0x2];
	[bflag:$0x3] =	sbarrier.arrive $0xFFFF;
	s2 =	simm.s32 @!p0 $0x1C01  }
0x226: {  	[timem:s3], [sflag:s2] =	dma.local @!p0 [hbm:s0], s1  }
0x227: {  	s0 =	simm.s32 @!p0 $0x1  }
0x228: {  	_ =	swait.ge @!p0 [sflag:s0], s1  }
0x229: {  	s1 =	ssub.s32 @!p0 $0x0, s1;
	[sflag:s0] =	ssyncset.done @!p0 $0x0  }
0x22a: {  	[sflag:s0] =	ssyncadd.s32 @!p0 s1  }
0x22b: {  	[bflag:$0x3] =	sbarrier.arrive $0xFFFF  }
0x22c: {  	_ =	shalt  }

</sc_bundles>
